<compile_context>
chip_gen: v7x
topology: tpu7x:2x2x1
jax: 0.10.2.dev20260603
libtpu: 0.0.44.dev20260713+nightly
codegen_flags: <defaults>
</compile_context>

<pallas_src>
import functools

import jax
import jax.numpy as jnp
from jax import lax
from jax.experimental import pallas as pl
from jax.experimental.pallas import tpu as pltpu
from jax.experimental.pallas import tpu_sc as plsc

N = 10000
E = 320000
NC = 2
NS = 16
NW = NC * NS
CHUNK = 128
NCHUNK = 81
NCTOT = NCHUNK + 3
NACC = 10240
ZROWS = NACC // NS
DDEG = 8

_MESH = plsc.VectorSubcoreMesh(core_axis_name="c", subcore_axis_name="s")
_SC_PARAMS = pltpu.CompilerParams(use_tc_tiling_on_sc=False)


def _make_deg():
    @functools.partial(
        pl.kernel,
        out_type=jax.ShapeDtypeStruct((NC, NACC, DDEG), jnp.float32),
        mesh=_MESH,
        compiler_params=_SC_PARAMS,
        scratch_types=[
            pltpu.VMEM((NCTOT, CHUNK), jnp.int32),
            pltpu.VMEM((CHUNK, DDEG), jnp.float32),
            pltpu.VMEM_SHARED((NACC, DDEG), jnp.float32),
            pltpu.SemaphoreType.DMA,
        ],
    )
    def deg(dst_hbm, ones_hbm, zeros_hbm, out_hbm, dst_v, ones_v, acc_sh, sem):
        cid = lax.axis_index("c")
        sid = lax.axis_index("s")
        wid = sid * NC + cid
        pltpu.sync_copy(zeros_hbm, acc_sh.at[pl.ds(sid * ZROWS, ZROWS)])
        pltpu.sync_copy(ones_hbm, ones_v)
        pltpu.sync_copy(dst_hbm.at[wid], dst_v)
        plsc.subcore_barrier()

        def body(j, carry):
            pltpu.sync_copy(ones_v, acc_sh.at[dst_v.at[j]], add=True)
            return carry

        lax.fori_loop(0, NCHUNK, body, 0)
        plsc.subcore_barrier()
        pltpu.sync_copy(acc_sh.at[pl.ds(sid * ZROWS, ZROWS)],
                        out_hbm.at[cid, pl.ds(sid * ZROWS, ZROWS)])

    return deg


def _make_agg(d):
    @functools.partial(
        pl.kernel,
        out_type=jax.ShapeDtypeStruct((NC, NACC, d), jnp.float32),
        mesh=_MESH,
        compiler_params=_SC_PARAMS,
        scratch_types=[
            pltpu.VMEM((NCTOT, CHUNK), jnp.int32),
            pltpu.VMEM((NCTOT, CHUNK), jnp.int32),
            pltpu.VMEM((CHUNK, d), jnp.float32),
            pltpu.VMEM((CHUNK, d), jnp.float32),
            pltpu.VMEM((CHUNK, d), jnp.float32),
            pltpu.VMEM_SHARED((NACC, d), jnp.float32),
            pltpu.VMEM_SHARED((NACC, d), jnp.float32),
            pltpu.SemaphoreType.DMA,
            pltpu.SemaphoreType.DMA,
            pltpu.SemaphoreType.DMA,
        ],
    )
    def agg(hp_hbm, src_hbm, dst_hbm, zeros_hbm, out_hbm,
            src_v, dst_v, rows0, rows1, rows2, table_sh, acc_sh,
            sem0, sem1, sem2):
        cid = lax.axis_index("c")
        sid = lax.axis_index("s")
        wid = sid * NC + cid
        pltpu.sync_copy(hp_hbm.at[pl.ds(sid * ZROWS, ZROWS)],
                        table_sh.at[pl.ds(sid * ZROWS, ZROWS)])
        pltpu.sync_copy(zeros_hbm, acc_sh.at[pl.ds(sid * ZROWS, ZROWS)])
        pltpu.sync_copy(src_hbm.at[wid], src_v)
        pltpu.sync_copy(dst_hbm.at[wid], dst_v)
        plsc.subcore_barrier()

        rows = (rows0, rows1, rows2)
        sems = (sem0, sem1, sem2)
        for b in range(3):
            pltpu.async_copy(table_sh.at[src_v.at[b]], rows[b], sems[b])

        def body(i, carry):
            j = 3 * i
            for b in range(3):
                pltpu.make_async_copy(table_sh.at[src_v.at[j + b]], rows[b],
                                      sems[b]).wait()
                pltpu.sync_copy(rows[b], acc_sh.at[dst_v.at[j + b]], add=True)
                pltpu.async_copy(table_sh.at[src_v.at[j + b + 3]], rows[b],
                                 sems[b])
            return carry

        lax.fori_loop(0, NCHUNK // 3, body, 0)
        for b in range(3):
            pltpu.make_async_copy(table_sh.at[src_v.at[NCHUNK + b]], rows[b],
                                  sems[b]).wait()
        plsc.subcore_barrier()
        pltpu.sync_copy(acc_sh.at[pl.ds(sid * ZROWS, ZROWS)],
                        out_hbm.at[cid, pl.ds(sid * ZROWS, ZROWS)])

    return agg


_deg_call = _make_deg()
_agg64 = _make_agg(64)
_agg32 = _make_agg(32)

_RB = 2000
_GRID = N // _RB
_RBP = 1280
_GRIDP = NACC // _RBP


def _mm_body(degp_ref, x_ref, w_ref, o_ref):
    deg = degp_ref[0, :, 0:1] + degp_ref[1, :, 0:1] + 1.0
    h = jnp.dot(x_ref[...], w_ref[...], preferred_element_type=jnp.float32)
    o_ref[...] = h * lax.rsqrt(deg)


def _tc_matmul_scale(degp, x, w):
    k, m = x.shape[1], w.shape[1]
    return pl.pallas_call(
        _mm_body,
        grid=(_GRIDP,),
        in_specs=[
            pl.BlockSpec((NC, _RBP, DDEG), lambda i: (0, i, 0)),
            pl.BlockSpec((_RBP, k), lambda i: (i, 0)),
            pl.BlockSpec((k, m), lambda i: (0, 0)),
        ],
        out_specs=pl.BlockSpec((_RBP, m), lambda i: (i, 0)),
        out_shape=jax.ShapeDtypeStruct((NACC, m), jnp.float32),
    )(degp, x, w)


def _mid_body(degp_ref, hp_ref, aggp_ref, b_ref, w_ref, o_ref):
    deg = degp_ref[0, :, 0:1] + degp_ref[1, :, 0:1] + 1.0
    dis = lax.rsqrt(deg)
    tot = hp_ref[...] + aggp_ref[0] + aggp_ref[1]
    h2 = jnp.maximum(tot * dis + b_ref[...], 0.0)
    o_ref[...] = jnp.dot(h2, w_ref[...], preferred_element_type=jnp.float32) * dis


def _tc_mid(degp, hp1, aggp1, b1, w2):
    k, m = w2.shape
    return pl.pallas_call(
        _mid_body,
        grid=(_GRIDP,),
        in_specs=[
            pl.BlockSpec((NC, _RBP, DDEG), lambda i: (0, i, 0)),
            pl.BlockSpec((_RBP, k), lambda i: (i, 0)),
            pl.BlockSpec((NC, _RBP, k), lambda i: (0, i, 0)),
            pl.BlockSpec((1, k), lambda i: (0, 0)),
            pl.BlockSpec((k, m), lambda i: (0, 0)),
        ],
        out_specs=pl.BlockSpec((_RBP, m), lambda i: (i, 0)),
        out_shape=jax.ShapeDtypeStruct((NACC, m), jnp.float32),
    )(degp, hp1, aggp1, b1, w2)


def _fin_body(degp_ref, hp_ref, aggp_ref, b_ref, o_ref):
    deg = degp_ref[0, :, 0:1] + degp_ref[1, :, 0:1] + 1.0
    dis = lax.rsqrt(deg)
    tot = hp_ref[...] + aggp_ref[0] + aggp_ref[1]
    o_ref[...] = tot * dis + b_ref[...]


def _tc_fin(degp, hp2, aggp2, b2):
    m = hp2.shape[1]
    return pl.pallas_call(
        _fin_body,
        grid=(_GRID,),
        in_specs=[
            pl.BlockSpec((NC, _RB, DDEG), lambda i: (0, i, 0)),
            pl.BlockSpec((_RB, m), lambda i: (i, 0)),
            pl.BlockSpec((NC, _RB, m), lambda i: (0, i, 0)),
            pl.BlockSpec((1, m), lambda i: (0, 0)),
        ],
        out_specs=pl.BlockSpec((_RB, m), lambda i: (i, 0)),
        out_shape=jax.ShapeDtypeStruct((N, m), jnp.float32),
    )(degp, hp2, aggp2, b2)


def kernel(x, edge_index, W1, b1, W2, b2):
    xp = jnp.concatenate([x, jnp.zeros((NACC - N, x.shape[1]), jnp.float32)])
    src = edge_index[0].astype(jnp.int32)
    dst = edge_index[1].astype(jnp.int32)
    epad = NW * NCHUNK * CHUNK
    src_p = jnp.concatenate(
        [src, jnp.zeros((epad - E,), jnp.int32)]).reshape(NW, NCHUNK, CHUNK)
    dst_p = jnp.concatenate(
        [dst, jnp.full((epad - E,), N, jnp.int32)]).reshape(NW, NCHUNK, CHUNK)
    src_p = jnp.concatenate(
        [src_p, jnp.zeros((NW, 3, CHUNK), jnp.int32)], axis=1)
    dst_p = jnp.concatenate(
        [dst_p, jnp.full((NW, 3, CHUNK), N, jnp.int32)], axis=1)

    ones = jnp.ones((CHUNK, DDEG), jnp.float32)
    zeros_deg = jnp.zeros((ZROWS, DDEG), jnp.float32)
    zeros64 = jnp.zeros((ZROWS, 64), jnp.float32)
    zeros32 = jnp.zeros((ZROWS, 32), jnp.float32)

    degp = _deg_call(dst_p, ones, zeros_deg)
    hp1 = _tc_matmul_scale(degp, xp, W1)
    aggp1 = _agg64(hp1, src_p, dst_p, zeros64)
    hp2 = _tc_mid(degp, hp1, aggp1, b1.reshape(1, 64), W2)
    aggp2 = _agg32(hp2, src_p, dst_p, zeros32)
    return _tc_fin(degp, hp2, aggp2, b2.reshape(1, 32))

# --- scband reference (transcript-rebuilt; emitter-appended) ---
"""Pipeline reference for scband-gcn-22110491640540 (READ-ONLY COPY).

The authoritative reference and input builder live on the scoring server;
editing this copy changes nothing except your own understanding.
"""

import jax, jax.numpy as jnp
import numpy as np

N_NODES = 10000

def setup_inputs(seed: int = 0) -> dict:
    key = jax.random.key(seed)
    k1, k2, k3, k4, k5, k6 = jax.random.split(key, 6)
    x = jax.random.normal(k1, (N_NODES, 128), dtype=jnp.float32)
    edge_index = jax.random.randint(k2, (2, 320000), 0, N_NODES, dtype=jnp.int64)
    W1 = jax.random.normal(k3, (128, 64), dtype=jnp.float32) * (1.0 / np.sqrt(128))
    b1 = jnp.zeros((64,), dtype=jnp.float32)
    W2 = jax.random.normal(k4, (64, 32), dtype=jnp.float32) * (1.0 / np.sqrt(64))
    b2 = jnp.zeros((32,), dtype=jnp.float32)
    return {"x": x, "edge_index": edge_index, "W1": W1, "b1": b1, "W2": W2, "b2": b2}

def _gcn_conv(x, src, dst, W, b, n):
    # PyG GCNConv semantics: add self-loops, symmetric normalization, linear, scatter-add, bias
    loop = jnp.arange(n, dtype=src.dtype)
    src_sl = jnp.concatenate([src, loop])
    dst_sl = jnp.concatenate([dst, loop])
    deg = jnp.zeros((n,), dtype=x.dtype).at[dst_sl].add(1.0)
    deg_inv_sqrt = jnp.where(deg > 0, 1.0 / jnp.sqrt(deg), 0.0)
    norm = deg_inv_sqrt[src_sl] * deg_inv_sqrt[dst_sl]
    h = x @ W
    msg = h[src_sl] * norm[:, None]
    out = jnp.zeros((n, W.shape[1]), dtype=x.dtype).at[dst_sl].add(msg)
    return out + b

def reference(x, edge_index, W1, b1, W2, b2):
    n = x.shape[0]
    src, dst = edge_index[0], edge_index[1]
    h = _gcn_conv(x, src, dst, W1, b1, n)
    h = jax.nn.relu(h)
    out = _gcn_conv(h, src, dst, W2, b2, n)
    return out

if __name__ == "__main__":
    import jax
    _d = setup_inputs()
    print(jax.jit(kernel)(*tuple(_d.values())))

</pallas_src>

<mosaic_0001>
#map = affine_map<(d0, d1) -> (0, 0, 0)>
#map1 = affine_map<(d0, d1) -> (0, 0)>
module attributes {stable_mosaic.version = 14 : i64} {
  func.func @deg(%arg0: i32, %arg1: i32, %arg2: memref<32x84x128xi32, #tpu.memory_space<hbm>>, %arg3: memref<128x8xf32, #tpu.memory_space<hbm>>, %arg4: memref<640x8xf32, #tpu.memory_space<hbm>>, %arg5: memref<2x10240x8xf32, #tpu.memory_space<hbm>>, %arg6: memref<84x128xi32, #tpu.memory_space<vmem>>, %arg7: memref<128x8xf32, #tpu.memory_space<vmem>>, %arg8: memref<10240x8xf32, #tpu.memory_space<vmem_shared>>, %arg9: memref<!tpu.dma_semaphore, #tpu.memory_space<semaphore_mem>>) attributes {dimension_semantics = [#tpu.dimension_semantics<core_parallel>, #tpu.dimension_semantics<subcore_parallel>], iteration_bounds = array<i64: 2, 16>, scalar_prefetch = 0 : i64, scratch_operands = 4 : i64, tpu.core_type = #tpu.core_type<sc_vector_subcore>, window_params = [{transform_indices = #map}, {transform_indices = #map1}, {transform_indices = #map1}, {transform_indices = #map}]} {
    %mul3A = arith.constant 2 : i32
    %mul3A_0 = arith.muli %arg1, %mul3A : i32
    %add3A = arith.addi %mul3A_0, %arg0 : i32
    %mul3A_1 = arith.constant 640 : i32
    %mul3A_2 = arith.muli %arg1, %mul3A_1 : i32
    "tpu.region"() ({
      %run_scoped3A = tpu.sem_alloc : memref<!tpu.dma_semaphore, #tpu.memory_space<semaphore_mem>>
      %dma_start3A = arith.constant 0 : i32
      %dma_start3A_13 = tpu.memref_slice %arg8[%mul3A_2, %dma_start3A] : memref<10240x8xf32, #tpu.memory_space<vmem_shared>> -> memref<640x8xf32, #tpu.memory_space<vmem_shared>>
      tpu.enqueue_dma source(%arg4 : memref<640x8xf32, #tpu.memory_space<hbm>>) target(%dma_start3A_13 : memref<640x8xf32, #tpu.memory_space<vmem_shared>>) target_semaphore(%run_scoped3A : memref<!tpu.dma_semaphore, #tpu.memory_space<semaphore_mem>>)
      %dma_wait3A = arith.constant 0 : i32
      %dma_wait3A_14 = tpu.memref_slice %arg8[%mul3A_2, %dma_wait3A] : memref<10240x8xf32, #tpu.memory_space<vmem_shared>> -> memref<640x8xf32, #tpu.memory_space<vmem_shared>>
      tpu.wait_dma2 semaphore(%run_scoped3A : memref<!tpu.dma_semaphore, #tpu.memory_space<semaphore_mem>>) src(%arg4 : memref<640x8xf32, #tpu.memory_space<hbm>>) dst(%dma_wait3A_14 : memref<640x8xf32, #tpu.memory_space<vmem_shared>>)
      tpu.yield
    }) : () -> ()
    "tpu.region"() ({
      %run_scoped3A = tpu.sem_alloc : memref<!tpu.dma_semaphore, #tpu.memory_space<semaphore_mem>>
      tpu.enqueue_dma source(%arg3 : memref<128x8xf32, #tpu.memory_space<hbm>>) target(%arg7 : memref<128x8xf32, #tpu.memory_space<vmem>>) target_semaphore(%run_scoped3A : memref<!tpu.dma_semaphore, #tpu.memory_space<semaphore_mem>>)
      tpu.wait_dma2 semaphore(%run_scoped3A : memref<!tpu.dma_semaphore, #tpu.memory_space<semaphore_mem>>) src(%arg3 : memref<128x8xf32, #tpu.memory_space<hbm>>) dst(%arg7 : memref<128x8xf32, #tpu.memory_space<vmem>>)
      tpu.yield
    }) : () -> ()
    "tpu.region"() ({
      %run_scoped3A = tpu.sem_alloc : memref<!tpu.dma_semaphore, #tpu.memory_space<semaphore_mem>>
      %dma_start3A = arith.constant 0 : i32
      %dma_start3A_13 = arith.constant 0 : i32
      %dma_start3A_14 = tpu.memref_slice %arg2[%add3A, %dma_start3A, %dma_start3A_13] : memref<32x84x128xi32, #tpu.memory_space<hbm>> -> memref<1x84x128xi32, #tpu.memory_space<hbm>>
      %dma_start3A_15 = tpu.memref_squeeze %dma_start3A_14 : memref<1x84x128xi32, #tpu.memory_space<hbm>> -> memref<84x128xi32, #tpu.memory_space<hbm>>
      %dma_start3A_16 = arith.constant 0 : i32
      %dma_start3A_17 = arith.constant 0 : i32
      %dma_start3A_18 = tpu.memref_slice %arg2[%add3A, %dma_start3A_16, %dma_start3A_17] : memref<32x84x128xi32, #tpu.memory_space<hbm>> -> memref<1x84x128xi32, #tpu.memory_space<hbm>>
      %dma_start3A_19 = tpu.memref_squeeze %dma_start3A_18 : memref<1x84x128xi32, #tpu.memory_space<hbm>> -> memref<84x128xi32, #tpu.memory_space<hbm>>
      tpu.enqueue_dma source(%dma_start3A_19 : memref<84x128xi32, #tpu.memory_space<hbm>>) target(%arg6 : memref<84x128xi32, #tpu.memory_space<vmem>>) target_semaphore(%run_scoped3A : memref<!tpu.dma_semaphore, #tpu.memory_space<semaphore_mem>>)
      %dma_wait3A = arith.constant 0 : i32
      %dma_wait3A_20 = arith.constant 0 : i32
      %dma_wait3A_21 = tpu.memref_slice %arg2[%add3A, %dma_wait3A, %dma_wait3A_20] : memref<32x84x128xi32, #tpu.memory_space<hbm>> -> memref<1x84x128xi32, #tpu.memory_space<hbm>>
      %dma_wait3A_22 = tpu.memref_squeeze %dma_wait3A_21 : memref<1x84x128xi32, #tpu.memory_space<hbm>> -> memref<84x128xi32, #tpu.memory_space<hbm>>
      %dma_wait3A_23 = arith.constant 0 : i32
      %dma_wait3A_24 = arith.constant 0 : i32
      %dma_wait3A_25 = tpu.memref_slice %arg2[%add3A, %dma_wait3A_23, %dma_wait3A_24] : memref<32x84x128xi32, #tpu.memory_space<hbm>> -> memref<1x84x128xi32, #tpu.memory_space<hbm>>
      %dma_wait3A_26 = tpu.memref_squeeze %dma_wait3A_25 : memref<1x84x128xi32, #tpu.memory_space<hbm>> -> memref<84x128xi32, #tpu.memory_space<hbm>>
      tpu.wait_dma2 semaphore(%run_scoped3A : memref<!tpu.dma_semaphore, #tpu.memory_space<semaphore_mem>>) src(%dma_wait3A_26 : memref<84x128xi32, #tpu.memory_space<hbm>>) dst(%arg6 : memref<84x128xi32, #tpu.memory_space<vmem>>)
      tpu.yield
    }) : () -> ()
    %barrier3A = arith.constant 0 : index
    tpu.barrier barrier_id(%barrier3A)
    %scan3A = arith.constant 0 : i32
    %scan3A_3 = arith.constant 0 : i32
    %scan3A_4 = arith.constant 81 : i32
    %scan3A_5 = arith.addi %scan3A_3, %scan3A_4 : i32
    %scan3A_6 = arith.constant 1 : i32
    scf.for %scan3A_13 = %scan3A_3 to %scan3A_5 step %scan3A_6  : i32 {
      "tpu.region"() ({
        %run_scoped3A = tpu.sem_alloc : memref<!tpu.dma_semaphore, #tpu.memory_space<semaphore_mem>>
        %dma_start3A = arith.constant 0 : i32
        %dma_start3A_14 = tpu.memref_slice %arg6[%scan3A_13, %dma_start3A] : memref<84x128xi32, #tpu.memory_space<vmem>> -> memref<1x128xi32, #tpu.memory_space<vmem>>
        %dma_start3A_15 = tpu.memref_squeeze %dma_start3A_14 : memref<1x128xi32, #tpu.memory_space<vmem>> -> memref<128xi32, #tpu.memory_space<vmem>>
        %dma_start3A_16 = arith.constant 0 : i32
        %dma_start3A_17 = arith.constant 0 : i32
        %dma_start3A_18 = tpu.memref_slice %arg8[%dma_start3A_16, %dma_start3A_17] : memref<10240x8xf32, #tpu.memory_space<vmem_shared>> -> memref<10240x8xf32, #tpu.memory_space<vmem_shared>>
        tpu.enqueue_indirect_dma source(%arg7 : memref<128x8xf32, #tpu.memory_space<vmem>>) target(%dma_start3A_18 : memref<10240x8xf32, #tpu.memory_space<vmem_shared>>) offsets(%dma_start3A_15 : memref<128xi32, #tpu.memory_space<vmem>>) semaphore(%run_scoped3A : memref<!tpu.dma_semaphore, #tpu.memory_space<semaphore_mem>>) {add = true}
        %dma_wait3A = arith.constant 0 : i32
        %dma_wait3A_19 = tpu.memref_slice %arg6[%scan3A_13, %dma_wait3A] : memref<84x128xi32, #tpu.memory_space<vmem>> -> memref<1x128xi32, #tpu.memory_space<vmem>>
        %dma_wait3A_20 = tpu.memref_squeeze %dma_wait3A_19 : memref<1x128xi32, #tpu.memory_space<vmem>> -> memref<128xi32, #tpu.memory_space<vmem>>
        %dma_wait3A_21 = arith.constant 0 : i32
        %dma_wait3A_22 = arith.constant 0 : i32
        %dma_wait3A_23 = tpu.memref_slice %arg8[%dma_wait3A_21, %dma_wait3A_22] : memref<10240x8xf32, #tpu.memory_space<vmem_shared>> -> memref<10240x8xf32, #tpu.memory_space<vmem_shared>>
        tpu.wait_indirect_dma semaphore(%run_scoped3A : memref<!tpu.dma_semaphore, #tpu.memory_space<semaphore_mem>>) src(%arg7 : memref<128x8xf32, #tpu.memory_space<vmem>>) dst(%dma_wait3A_23 : memref<10240x8xf32, #tpu.memory_space<vmem_shared>>)
        tpu.yield
      }) : () -> ()
    }
    %scan3A_7 = arith.constant 81 : i32
    %barrier3A_8 = arith.constant 0 : index
    tpu.barrier barrier_id(%barrier3A_8)
    %mul3A_9 = arith.constant 640 : i32
    %mul3A_10 = arith.muli %arg1, %mul3A_9 : i32
    %mul3A_11 = arith.constant 640 : i32
    %mul3A_12 = arith.muli %arg1, %mul3A_11 : i32
    "tpu.region"() ({
      %run_scoped3A = tpu.sem_alloc : memref<!tpu.dma_semaphore, #tpu.memory_space<semaphore_mem>>
      %dma_start3A = arith.constant 0 : i32
      %dma_start3A_13 = tpu.memref_slice %arg5[%arg0, %mul3A_12, %dma_start3A] : memref<2x10240x8xf32, #tpu.memory_space<hbm>> -> memref<1x640x8xf32, #tpu.memory_space<hbm>>
      %dma_start3A_14 = tpu.memref_squeeze %dma_start3A_13 : memref<1x640x8xf32, #tpu.memory_space<hbm>> -> memref<640x8xf32, #tpu.memory_space<hbm>>
      %dma_start3A_15 = arith.constant 0 : i32
      %dma_start3A_16 = tpu.memref_slice %arg8[%mul3A_10, %dma_start3A_15] : memref<10240x8xf32, #tpu.memory_space<vmem_shared>> -> memref<640x8xf32, #tpu.memory_space<vmem_shared>>
      tpu.enqueue_dma source(%dma_start3A_16 : memref<640x8xf32, #tpu.memory_space<vmem_shared>>) target(%dma_start3A_14 : memref<640x8xf32, #tpu.memory_space<hbm>>) target_semaphore(%run_scoped3A : memref<!tpu.dma_semaphore, #tpu.memory_space<semaphore_mem>>)
      %dma_wait3A = arith.constant 0 : i32
      %dma_wait3A_17 = tpu.memref_slice %arg5[%arg0, %mul3A_12, %dma_wait3A] : memref<2x10240x8xf32, #tpu.memory_space<hbm>> -> memref<1x640x8xf32, #tpu.memory_space<hbm>>
      %dma_wait3A_18 = tpu.memref_squeeze %dma_wait3A_17 : memref<1x640x8xf32, #tpu.memory_space<hbm>> -> memref<640x8xf32, #tpu.memory_space<hbm>>
      %dma_wait3A_19 = arith.constant 0 : i32
      %dma_wait3A_20 = tpu.memref_slice %arg8[%mul3A_10, %dma_wait3A_19] : memref<10240x8xf32, #tpu.memory_space<vmem_shared>> -> memref<640x8xf32, #tpu.memory_space<vmem_shared>>
      tpu.wait_dma2 semaphore(%run_scoped3A : memref<!tpu.dma_semaphore, #tpu.memory_space<semaphore_mem>>) src(%dma_wait3A_20 : memref<640x8xf32, #tpu.memory_space<vmem_shared>>) dst(%dma_wait3A_18 : memref<640x8xf32, #tpu.memory_space<hbm>>)
      tpu.yield
    }) : () -> ()
    return
  }
}

#map = affine_map<(d0, d1) -> (0, 0)>
#map1 = affine_map<(d0, d1) -> (0, 0, 0)>
module attributes {stable_mosaic.version = 14 : i64} {
  func.func @agg(%arg0: i32, %arg1: i32, %arg2: memref<10240x64xf32, #tpu.memory_space<hbm>>, %arg3: memref<32x84x128xi32, #tpu.memory_space<hbm>>, %arg4: memref<32x84x128xi32, #tpu.memory_space<hbm>>, %arg5: memref<640x64xf32, #tpu.memory_space<hbm>>, %arg6: memref<2x10240x64xf32, #tpu.memory_space<hbm>>, %arg7: memref<84x128xi32, #tpu.memory_space<vmem>>, %arg8: memref<84x128xi32, #tpu.memory_space<vmem>>, %arg9: memref<128x64xf32, #tpu.memory_space<vmem>>, %arg10: memref<128x64xf32, #tpu.memory_space<vmem>>, %arg11: memref<128x64xf32, #tpu.memory_space<vmem>>, %arg12: memref<10240x64xf32, #tpu.memory_space<vmem_shared>>, %arg13: memref<10240x64xf32, #tpu.memory_space<vmem_shared>>, %arg14: memref<!tpu.dma_semaphore, #tpu.memory_space<semaphore_mem>>, %arg15: memref<!tpu.dma_semaphore, #tpu.memory_space<semaphore_mem>>, %arg16: memref<!tpu.dma_semaphore, #tpu.memory_space<semaphore_mem>>) attributes {dimension_semantics = [#tpu.dimension_semantics<core_parallel>, #tpu.dimension_semantics<subcore_parallel>], iteration_bounds = array<i64: 2, 16>, scalar_prefetch = 0 : i64, scratch_operands = 10 : i64, tpu.core_type = #tpu.core_type<sc_vector_subcore>, window_params = [{transform_indices = #map}, {transform_indices = #map1}, {transform_indices = #map1}, {transform_indices = #map}, {transform_indices = #map1}]} {
    %mul3A = arith.constant 2 : i32
    %mul3A_0 = arith.muli %arg1, %mul3A : i32
    %add3A = arith.addi %mul3A_0, %arg0 : i32
    %mul3A_1 = arith.constant 640 : i32
    %mul3A_2 = arith.muli %arg1, %mul3A_1 : i32
    %mul3A_3 = arith.constant 640 : i32
    %mul3A_4 = arith.muli %arg1, %mul3A_3 : i32
    "tpu.region"() ({
      %run_scoped3A = tpu.sem_alloc : memref<!tpu.dma_semaphore, #tpu.memory_space<semaphore_mem>>
      %dma_start3A_57 = arith.constant 0 : i32
      %dma_start3A_58 = tpu.memref_slice %arg12[%mul3A_4, %dma_start3A_57] : memref<10240x64xf32, #tpu.memory_space<vmem_shared>> -> memref<640x64xf32, #tpu.memory_space<vmem_shared>>
      %dma_start3A_59 = arith.constant 0 : i32
      %dma_start3A_60 = tpu.memref_slice %arg2[%mul3A_2, %dma_start3A_59] : memref<10240x64xf32, #tpu.memory_space<hbm>> -> memref<640x64xf32, #tpu.memory_space<hbm>>
      tpu.enqueue_dma source(%dma_start3A_60 : memref<640x64xf32, #tpu.memory_space<hbm>>) target(%dma_start3A_58 : memref<640x64xf32, #tpu.memory_space<vmem_shared>>) target_semaphore(%run_scoped3A : memref<!tpu.dma_semaphore, #tpu.memory_space<semaphore_mem>>)
      %dma_wait3A_61 = arith.constant 0 : i32
      %dma_wait3A_62 = tpu.memref_slice %arg12[%mul3A_4, %dma_wait3A_61] : memref<10240x64xf32, #tpu.memory_space<vmem_shared>> -> memref<640x64xf32, #tpu.memory_space<vmem_shared>>
      %dma_wait3A_63 = arith.constant 0 : i32
      %dma_wait3A_64 = tpu.memref_slice %arg2[%mul3A_2, %dma_wait3A_63] : memref<10240x64xf32, #tpu.memory_space<hbm>> -> memref<640x64xf32, #tpu.memory_space<hbm>>
      tpu.wait_dma2 semaphore(%run_scoped3A : memref<!tpu.dma_semaphore, #tpu.memory_space<semaphore_mem>>) src(%dma_wait3A_64 : memref<640x64xf32, #tpu.memory_space<hbm>>) dst(%dma_wait3A_62 : memref<640x64xf32, #tpu.memory_space<vmem_shared>>)
      tpu.yield
    }) : () -> ()
    %mul3A_5 = arith.constant 640 : i32
    %mul3A_6 = arith.muli %arg1, %mul3A_5 : i32
    "tpu.region"() ({
      %run_scoped3A = tpu.sem_alloc : memref<!tpu.dma_semaphore, #tpu.memory_space<semaphore_mem>>
      %dma_start3A_57 = arith.constant 0 : i32
      %dma_start3A_58 = tpu.memref_slice %arg13[%mul3A_6, %dma_start3A_57] : memref<10240x64xf32, #tpu.memory_space<vmem_shared>> -> memref<640x64xf32, #tpu.memory_space<vmem_shared>>
      tpu.enqueue_dma source(%arg5 : memref<640x64xf32, #tpu.memory_space<hbm>>) target(%dma_start3A_58 : memref<640x64xf32, #tpu.memory_space<vmem_shared>>) target_semaphore(%run_scoped3A : memref<!tpu.dma_semaphore, #tpu.memory_space<semaphore_mem>>)
      %dma_wait3A_59 = arith.constant 0 : i32
      %dma_wait3A_60 = tpu.memref_slice %arg13[%mul3A_6, %dma_wait3A_59] : memref<10240x64xf32, #tpu.memory_space<vmem_shared>> -> memref<640x64xf32, #tpu.memory_space<vmem_shared>>
      tpu.wait_dma2 semaphore(%run_scoped3A : memref<!tpu.dma_semaphore, #tpu.memory_space<semaphore_mem>>) src(%arg5 : memref<640x64xf32, #tpu.memory_space<hbm>>) dst(%dma_wait3A_60 : memref<640x64xf32, #tpu.memory_space<vmem_shared>>)
      tpu.yield
    }) : () -> ()
    "tpu.region"() ({
      %run_scoped3A = tpu.sem_alloc : memref<!tpu.dma_semaphore, #tpu.memory_space<semaphore_mem>>
      %dma_start3A_57 = arith.constant 0 : i32
      %dma_start3A_58 = arith.constant 0 : i32
      %dma_start3A_59 = tpu.memref_slice %arg3[%add3A, %dma_start3A_57, %dma_start3A_58] : memref<32x84x128xi32, #tpu.memory_space<hbm>> -> memref<1x84x128xi32, #tpu.memory_space<hbm>>
      %dma_start3A_60 = tpu.memref_squeeze %dma_start3A_59 : memref<1x84x128xi32, #tpu.memory_space<hbm>> -> memref<84x128xi32, #tpu.memory_space<hbm>>
      %dma_start3A_61 = arith.constant 0 : i32
      %dma_start3A_62 = arith.constant 0 : i32
      %dma_start3A_63 = tpu.memref_slice %arg3[%add3A, %dma_start3A_61, %dma_start3A_62] : memref<32x84x128xi32, #tpu.memory_space<hbm>> -> memref<1x84x128xi32, #tpu.memory_space<hbm>>
      %dma_start3A_64 = tpu.memref_squeeze %dma_start3A_63 : memref<1x84x128xi32, #tpu.memory_space<hbm>> -> memref<84x128xi32, #tpu.memory_space<hbm>>
      tpu.enqueue_dma source(%dma_start3A_64 : memref<84x128xi32, #tpu.memory_space<hbm>>) target(%arg7 : memref<84x128xi32, #tpu.memory_space<vmem>>) target_semaphore(%run_scoped3A : memref<!tpu.dma_semaphore, #tpu.memory_space<semaphore_mem>>)
      %dma_wait3A_65 = arith.constant 0 : i32
      %dma_wait3A_66 = arith.constant 0 : i32
      %dma_wait3A_67 = tpu.memref_slice %arg3[%add3A, %dma_wait3A_65, %dma_wait3A_66] : memref<32x84x128xi32, #tpu.memory_space<hbm>> -> memref<1x84x128xi32, #tpu.memory_space<hbm>>
      %dma_wait3A_68 = tpu.memref_squeeze %dma_wait3A_67 : memref<1x84x128xi32, #tpu.memory_space<hbm>> -> memref<84x128xi32, #tpu.memory_space<hbm>>
      %dma_wait3A_69 = arith.constant 0 : i32
      %dma_wait3A_70 = arith.constant 0 : i32
      %dma_wait3A_71 = tpu.memref_slice %arg3[%add3A, %dma_wait3A_69, %dma_wait3A_70] : memref<32x84x128xi32, #tpu.memory_space<hbm>> -> memref<1x84x128xi32, #tpu.memory_space<hbm>>
      %dma_wait3A_72 = tpu.memref_squeeze %dma_wait3A_71 : memref<1x84x128xi32, #tpu.memory_space<hbm>> -> memref<84x128xi32, #tpu.memory_space<hbm>>
      tpu.wait_dma2 semaphore(%run_scoped3A : memref<!tpu.dma_semaphore, #tpu.memory_space<semaphore_mem>>) src(%dma_wait3A_72 : memref<84x128xi32, #tpu.memory_space<hbm>>) dst(%arg7 : memref<84x128xi32, #tpu.memory_space<vmem>>)
      tpu.yield
    }) : () -> ()
    "tpu.region"() ({
      %run_scoped3A = tpu.sem_alloc : memref<!tpu.dma_semaphore, #tpu.memory_space<semaphore_mem>>
      %dma_start3A_57 = arith.constant 0 : i32
      %dma_start3A_58 = arith.constant 0 : i32
      %dma_start3A_59 = tpu.memref_slice %arg4[%add3A, %dma_start3A_57, %dma_start3A_58] : memref<32x84x128xi32, #tpu.memory_space<hbm>> -> memref<1x84x128xi32, #tpu.memory_space<hbm>>
      %dma_start3A_60 = tpu.memref_squeeze %dma_start3A_59 : memref<1x84x128xi32, #tpu.memory_space<hbm>> -> memref<84x128xi32, #tpu.memory_space<hbm>>
      %dma_start3A_61 = arith.constant 0 : i32
      %dma_start3A_62 = arith.constant 0 : i32
      %dma_start3A_63 = tpu.memref_slice %arg4[%add3A, %dma_start3A_61, %dma_start3A_62] : memref<32x84x128xi32, #tpu.memory_space<hbm>> -> memref<1x84x128xi32, #tpu.memory_space<hbm>>
      %dma_start3A_64 = tpu.memref_squeeze %dma_start3A_63 : memref<1x84x128xi32, #tpu.memory_space<hbm>> -> memref<84x128xi32, #tpu.memory_space<hbm>>
      tpu.enqueue_dma source(%dma_start3A_64 : memref<84x128xi32, #tpu.memory_space<hbm>>) target(%arg8 : memref<84x128xi32, #tpu.memory_space<vmem>>) target_semaphore(%run_scoped3A : memref<!tpu.dma_semaphore, #tpu.memory_space<semaphore_mem>>)
      %dma_wait3A_65 = arith.constant 0 : i32
      %dma_wait3A_66 = arith.constant 0 : i32
      %dma_wait3A_67 = tpu.memref_slice %arg4[%add3A, %dma_wait3A_65, %dma_wait3A_66] : memref<32x84x128xi32, #tpu.memory_space<hbm>> -> memref<1x84x128xi32, #tpu.memory_space<hbm>>
      %dma_wait3A_68 = tpu.memref_squeeze %dma_wait3A_67 : memref<1x84x128xi32, #tpu.memory_space<hbm>> -> memref<84x128xi32, #tpu.memory_space<hbm>>
      %dma_wait3A_69 = arith.constant 0 : i32
      %dma_wait3A_70 = arith.constant 0 : i32
      %dma_wait3A_71 = tpu.memref_slice %arg4[%add3A, %dma_wait3A_69, %dma_wait3A_70] : memref<32x84x128xi32, #tpu.memory_space<hbm>> -> memref<1x84x128xi32, #tpu.memory_space<hbm>>
      %dma_wait3A_72 = tpu.memref_squeeze %dma_wait3A_71 : memref<1x84x128xi32, #tpu.memory_space<hbm>> -> memref<84x128xi32, #tpu.memory_space<hbm>>
      tpu.wait_dma2 semaphore(%run_scoped3A : memref<!tpu.dma_semaphore, #tpu.memory_space<semaphore_mem>>) src(%dma_wait3A_72 : memref<84x128xi32, #tpu.memory_space<hbm>>) dst(%arg8 : memref<84x128xi32, #tpu.memory_space<vmem>>)
      tpu.yield
    }) : () -> ()
    %barrier3A = arith.constant 0 : index
    tpu.barrier barrier_id(%barrier3A)
    %dma_start3A = arith.constant 0 : i32
    %dma_start3A_7 = arith.constant 0 : i32
    %dma_start3A_8 = tpu.memref_slice %arg7[%dma_start3A, %dma_start3A_7] : memref<84x128xi32, #tpu.memory_space<vmem>> -> memref<1x128xi32, #tpu.memory_space<vmem>>
    %dma_start3A_9 = tpu.memref_squeeze %dma_start3A_8 : memref<1x128xi32, #tpu.memory_space<vmem>> -> memref<128xi32, #tpu.memory_space<vmem>>
    %dma_start3A_10 = arith.constant 0 : i32
    %dma_start3A_11 = arith.constant 0 : i32
    %dma_start3A_12 = tpu.memref_slice %arg12[%dma_start3A_10, %dma_start3A_11] : memref<10240x64xf32, #tpu.memory_space<vmem_shared>> -> memref<10240x64xf32, #tpu.memory_space<vmem_shared>>
    tpu.enqueue_indirect_dma source(%dma_start3A_12 : memref<10240x64xf32, #tpu.memory_space<vmem_shared>>) target(%arg9 : memref<128x64xf32, #tpu.memory_space<vmem>>) offsets(%dma_start3A_9 : memref<128xi32, #tpu.memory_space<vmem>>) semaphore(%arg14 : memref<!tpu.dma_semaphore, #tpu.memory_space<semaphore_mem>>)
    %dma_start3A_13 = arith.constant 1 : i32
    %dma_start3A_14 = arith.constant 0 : i32
    %dma_start3A_15 = tpu.memref_slice %arg7[%dma_start3A_13, %dma_start3A_14] : memref<84x128xi32, #tpu.memory_space<vmem>> -> memref<1x128xi32, #tpu.memory_space<vmem>>
    %dma_start3A_16 = tpu.memref_squeeze %dma_start3A_15 : memref<1x128xi32, #tpu.memory_space<vmem>> -> memref<128xi32, #tpu.memory_space<vmem>>
    %dma_start3A_17 = arith.constant 0 : i32
    %dma_start3A_18 = arith.constant 0 : i32
    %dma_start3A_19 = tpu.memref_slice %arg12[%dma_start3A_17, %dma_start3A_18] : memref<10240x64xf32, #tpu.memory_space<vmem_shared>> -> memref<10240x64xf32, #tpu.memory_space<vmem_shared>>
    tpu.enqueue_indirect_dma source(%dma_start3A_19 : memref<10240x64xf32, #tpu.memory_space<vmem_shared>>) target(%arg10 : memref<128x64xf32, #tpu.memory_space<vmem>>) offsets(%dma_start3A_16 : memref<128xi32, #tpu.memory_space<vmem>>) semaphore(%arg15 : memref<!tpu.dma_semaphore, #tpu.memory_space<semaphore_mem>>)
    %dma_start3A_20 = arith.constant 2 : i32
    %dma_start3A_21 = arith.constant 0 : i32
    %dma_start3A_22 = tpu.memref_slice %arg7[%dma_start3A_20, %dma_start3A_21] : memref<84x128xi32, #tpu.memory_space<vmem>> -> memref<1x128xi32, #tpu.memory_space<vmem>>
    %dma_start3A_23 = tpu.memref_squeeze %dma_start3A_22 : memref<1x128xi32, #tpu.memory_space<vmem>> -> memref<128xi32, #tpu.memory_space<vmem>>
    %dma_start3A_24 = arith.constant 0 : i32
    %dma_start3A_25 = arith.constant 0 : i32
    %dma_start3A_26 = tpu.memref_slice %arg12[%dma_start3A_24, %dma_start3A_25] : memref<10240x64xf32, #tpu.memory_space<vmem_shared>> -> memref<10240x64xf32, #tpu.memory_space<vmem_shared>>
    tpu.enqueue_indirect_dma source(%dma_start3A_26 : memref<10240x64xf32, #tpu.memory_space<vmem_shared>>) target(%arg11 : memref<128x64xf32, #tpu.memory_space<vmem>>) offsets(%dma_start3A_23 : memref<128xi32, #tpu.memory_space<vmem>>) semaphore(%arg16 : memref<!tpu.dma_semaphore, #tpu.memory_space<semaphore_mem>>)
    %scan3A = arith.constant 0 : i32
    %scan3A_27 = arith.constant 0 : i32
    %scan3A_28 = arith.constant 27 : i32
    %scan3A_29 = arith.addi %scan3A_27, %scan3A_28 : i32
    %scan3A_30 = arith.constant 1 : i32
    scf.for %scan3A_57 = %scan3A_27 to %scan3A_29 step %scan3A_30  : i32 {
      %mul3A_58 = arith.constant 3 : i32
      %mul3A_59 = arith.muli %mul3A_58, %scan3A_57 : i32
      %add3A_60 = arith.constant 0 : i32
      %add3A_61 = arith.addi %mul3A_59, %add3A_60 : i32
      %dma_wait3A_62 = arith.constant 0 : i32
      %dma_wait3A_63 = tpu.memref_slice %arg7[%add3A_61, %dma_wait3A_62] : memref<84x128xi32, #tpu.memory_space<vmem>> -> memref<1x128xi32, #tpu.memory_space<vmem>>
      %dma_wait3A_64 = tpu.memref_squeeze %dma_wait3A_63 : memref<1x128xi32, #tpu.memory_space<vmem>> -> memref<128xi32, #tpu.memory_space<vmem>>
      %dma_wait3A_65 = arith.constant 0 : i32
      %dma_wait3A_66 = arith.constant 0 : i32
      %dma_wait3A_67 = tpu.memref_slice %arg12[%dma_wait3A_65, %dma_wait3A_66] : memref<10240x64xf32, #tpu.memory_space<vmem_shared>> -> memref<10240x64xf32, #tpu.memory_space<vmem_shared>>
      tpu.wait_indirect_dma semaphore(%arg14 : memref<!tpu.dma_semaphore, #tpu.memory_space<semaphore_mem>>) src(%dma_wait3A_67 : memref<10240x64xf32, #tpu.memory_space<vmem_shared>>) dst(%arg9 : memref<128x64xf32, #tpu.memory_space<vmem>>)
      %add3A_68 = arith.constant 0 : i32
      %add3A_69 = arith.addi %mul3A_59, %add3A_68 : i32
      "tpu.region"() ({
        %run_scoped3A = tpu.sem_alloc : memref<!tpu.dma_semaphore, #tpu.memory_space<semaphore_mem>>
        %dma_start3A_120 = arith.constant 0 : i32
        %dma_start3A_121 = tpu.memref_slice %arg8[%add3A_69, %dma_start3A_120] : memref<84x128xi32, #tpu.memory_space<vmem>> -> memref<1x128xi32, #tpu.memory_space<vmem>>
        %dma_start3A_122 = tpu.memref_squeeze %dma_start3A_121 : memref<1x128xi32, #tpu.memory_space<vmem>> -> memref<128xi32, #tpu.memory_space<vmem>>
        %dma_start3A_123 = arith.constant 0 : i32
        %dma_start3A_124 = arith.constant 0 : i32
        %dma_start3A_125 = tpu.memref_slice %arg13[%dma_start3A_123, %dma_start3A_124] : memref<10240x64xf32, #tpu.memory_space<vmem_shared>> -> memref<10240x64xf32, #tpu.memory_space<vmem_shared>>
        tpu.enqueue_indirect_dma source(%arg9 : memref<128x64xf32, #tpu.memory_space<vmem>>) target(%dma_start3A_125 : memref<10240x64xf32, #tpu.memory_space<vmem_shared>>) offsets(%dma_start3A_122 : memref<128xi32, #tpu.memory_space<vmem>>) semaphore(%run_scoped3A : memref<!tpu.dma_semaphore, #tpu.memory_space<semaphore_mem>>) {add = true}
        %dma_wait3A_126 = arith.constant 0 : i32
        %dma_wait3A_127 = tpu.memref_slice %arg8[%add3A_69, %dma_wait3A_126] : memref<84x128xi32, #tpu.memory_space<vmem>> -> memref<1x128xi32, #tpu.memory_space<vmem>>
        %dma_wait3A_128 = tpu.memref_squeeze %dma_wait3A_127 : memref<1x128xi32, #tpu.memory_space<vmem>> -> memref<128xi32, #tpu.memory_space<vmem>>
        %dma_wait3A_129 = arith.constant 0 : i32
        %dma_wait3A_130 = arith.constant 0 : i32
        %dma_wait3A_131 = tpu.memref_slice %arg13[%dma_wait3A_129, %dma_wait3A_130] : memref<10240x64xf32, #tpu.memory_space<vmem_shared>> -> memref<10240x64xf32, #tpu.memory_space<vmem_shared>>
        tpu.wait_indirect_dma semaphore(%run_scoped3A : memref<!tpu.dma_semaphore, #tpu.memory_space<semaphore_mem>>) src(%arg9 : memref<128x64xf32, #tpu.memory_space<vmem>>) dst(%dma_wait3A_131 : memref<10240x64xf32, #tpu.memory_space<vmem_shared>>)
        tpu.yield
      }) : () -> ()
      %add3A_70 = arith.constant 0 : i32
      %add3A_71 = arith.addi %mul3A_59, %add3A_70 : i32
      %add3A_72 = arith.constant 3 : i32
      %add3A_73 = arith.addi %add3A_71, %add3A_72 : i32
      %dma_start3A_74 = arith.constant 0 : i32
      %dma_start3A_75 = tpu.memref_slice %arg7[%add3A_73, %dma_start3A_74] : memref<84x128xi32, #tpu.memory_space<vmem>> -> memref<1x128xi32, #tpu.memory_space<vmem>>
      %dma_start3A_76 = tpu.memref_squeeze %dma_start3A_75 : memref<1x128xi32, #tpu.memory_space<vmem>> -> memref<128xi32, #tpu.memory_space<vmem>>
      %dma_start3A_77 = arith.constant 0 : i32
      %dma_start3A_78 = arith.constant 0 : i32
      %dma_start3A_79 = tpu.memref_slice %arg12[%dma_start3A_77, %dma_start3A_78] : memref<10240x64xf32, #tpu.memory_space<vmem_shared>> -> memref<10240x64xf32, #tpu.memory_space<vmem_shared>>
      tpu.enqueue_indirect_dma source(%dma_start3A_79 : memref<10240x64xf32, #tpu.memory_space<vmem_shared>>) target(%arg9 : memref<128x64xf32, #tpu.memory_space<vmem>>) offsets(%dma_start3A_76 : memref<128xi32, #tpu.memory_space<vmem>>) semaphore(%arg14 : memref<!tpu.dma_semaphore, #tpu.memory_space<semaphore_mem>>)
      %add3A_80 = arith.constant 1 : i32
      %add3A_81 = arith.addi %mul3A_59, %add3A_80 : i32
      %dma_wait3A_82 = arith.constant 0 : i32
      %dma_wait3A_83 = tpu.memref_slice %arg7[%add3A_81, %dma_wait3A_82] : memref<84x128xi32, #tpu.memory_space<vmem>> -> memref<1x128xi32, #tpu.memory_space<vmem>>
      %dma_wait3A_84 = tpu.memref_squeeze %dma_wait3A_83 : memref<1x128xi32, #tpu.memory_space<vmem>> -> memref<128xi32, #tpu.memory_space<vmem>>
      %dma_wait3A_85 = arith.constant 0 : i32
      %dma_wait3A_86 = arith.constant 0 : i32
      %dma_wait3A_87 = tpu.memref_slice %arg12[%dma_wait3A_85, %dma_wait3A_86] : memref<10240x64xf32, #tpu.memory_space<vmem_shared>> -> memref<10240x64xf32, #tpu.memory_space<vmem_shared>>
      tpu.wait_indirect_dma semaphore(%arg15 : memref<!tpu.dma_semaphore, #tpu.memory_space<semaphore_mem>>) src(%dma_wait3A_87 : memref<10240x64xf32, #tpu.memory_space<vmem_shared>>) dst(%arg10 : memref<128x64xf32, #tpu.memory_space<vmem>>)
      %add3A_88 = arith.constant 1 : i32
      %add3A_89 = arith.addi %mul3A_59, %add3A_88 : i32
      "tpu.region"() ({
        %run_scoped3A = tpu.sem_alloc : memref<!tpu.dma_semaphore, #tpu.memory_space<semaphore_mem>>
        %dma_start3A_120 = arith.constant 0 : i32
        %dma_start3A_121 = tpu.memref_slice %arg8[%add3A_89, %dma_start3A_120] : memref<84x128xi32, #tpu.memory_space<vmem>> -> memref<1x128xi32, #tpu.memory_space<vmem>>
        %dma_start3A_122 = tpu.memref_squeeze %dma_start3A_121 : memref<1x128xi32, #tpu.memory_space<vmem>> -> memref<128xi32, #tpu.memory_space<vmem>>
        %dma_start3A_123 = arith.constant 0 : i32
        %dma_start3A_124 = arith.constant 0 : i32
        %dma_start3A_125 = tpu.memref_slice %arg13[%dma_start3A_123, %dma_start3A_124] : memref<10240x64xf32, #tpu.memory_space<vmem_shared>> -> memref<10240x64xf32, #tpu.memory_space<vmem_shared>>
        tpu.enqueue_indirect_dma source(%arg10 : memref<128x64xf32, #tpu.memory_space<vmem>>) target(%dma_start3A_125 : memref<10240x64xf32, #tpu.memory_space<vmem_shared>>) offsets(%dma_start3A_122 : memref<128xi32, #tpu.memory_space<vmem>>) semaphore(%run_scoped3A : memref<!tpu.dma_semaphore, #tpu.memory_space<semaphore_mem>>) {add = true}
        %dma_wait3A_126 = arith.constant 0 : i32
        %dma_wait3A_127 = tpu.memref_slice %arg8[%add3A_89, %dma_wait3A_126] : memref<84x128xi32, #tpu.memory_space<vmem>> -> memref<1x128xi32, #tpu.memory_space<vmem>>
        %dma_wait3A_128 = tpu.memref_squeeze %dma_wait3A_127 : memref<1x128xi32, #tpu.memory_space<vmem>> -> memref<128xi32, #tpu.memory_space<vmem>>
        %dma_wait3A_129 = arith.constant 0 : i32
        %dma_wait3A_130 = arith.constant 0 : i32
        %dma_wait3A_131 = tpu.memref_slice %arg13[%dma_wait3A_129, %dma_wait3A_130] : memref<10240x64xf32, #tpu.memory_space<vmem_shared>> -> memref<10240x64xf32, #tpu.memory_space<vmem_shared>>
        tpu.wait_indirect_dma semaphore(%run_scoped3A : memref<!tpu.dma_semaphore, #tpu.memory_space<semaphore_mem>>) src(%arg10 : memref<128x64xf32, #tpu.memory_space<vmem>>) dst(%dma_wait3A_131 : memref<10240x64xf32, #tpu.memory_space<vmem_shared>>)
        tpu.yield
      }) : () -> ()
      %add3A_90 = arith.constant 1 : i32
      %add3A_91 = arith.addi %mul3A_59, %add3A_90 : i32
      %add3A_92 = arith.constant 3 : i32
      %add3A_93 = arith.addi %add3A_91, %add3A_92 : i32
      %dma_start3A_94 = arith.constant 0 : i32
      %dma_start3A_95 = tpu.memref_slice %arg7[%add3A_93, %dma_start3A_94] : memref<84x128xi32, #tpu.memory_space<vmem>> -> memref<1x128xi32, #tpu.memory_space<vmem>>
      %dma_start3A_96 = tpu.memref_squeeze %dma_start3A_95 : memref<1x128xi32, #tpu.memory_space<vmem>> -> memref<128xi32, #tpu.memory_space<vmem>>
      %dma_start3A_97 = arith.constant 0 : i32
      %dma_start3A_98 = arith.constant 0 : i32
      %dma_start3A_99 = tpu.memref_slice %arg12[%dma_start3A_97, %dma_start3A_98] : memref<10240x64xf32, #tpu.memory_space<vmem_shared>> -> memref<10240x64xf32, #tpu.memory_space<vmem_shared>>
      tpu.enqueue_indirect_dma source(%dma_start3A_99 : memref<10240x64xf32, #tpu.memory_space<vmem_shared>>) target(%arg10 : memref<128x64xf32, #tpu.memory_space<vmem>>) offsets(%dma_start3A_96 : memref<128xi32, #tpu.memory_space<vmem>>) semaphore(%arg15 : memref<!tpu.dma_semaphore, #tpu.memory_space<semaphore_mem>>)
      %add3A_100 = arith.constant 2 : i32
      %add3A_101 = arith.addi %mul3A_59, %add3A_100 : i32
      %dma_wait3A_102 = arith.constant 0 : i32
      %dma_wait3A_103 = tpu.memref_slice %arg7[%add3A_101, %dma_wait3A_102] : memref<84x128xi32, #tpu.memory_space<vmem>> -> memref<1x128xi32, #tpu.memory_space<vmem>>
      %dma_wait3A_104 = tpu.memref_squeeze %dma_wait3A_103 : memref<1x128xi32, #tpu.memory_space<vmem>> -> memref<128xi32, #tpu.memory_space<vmem>>
      %dma_wait3A_105 = arith.constant 0 : i32
      %dma_wait3A_106 = arith.constant 0 : i32
      %dma_wait3A_107 = tpu.memref_slice %arg12[%dma_wait3A_105, %dma_wait3A_106] : memref<10240x64xf32, #tpu.memory_space<vmem_shared>> -> memref<10240x64xf32, #tpu.memory_space<vmem_shared>>
      tpu.wait_indirect_dma semaphore(%arg16 : memref<!tpu.dma_semaphore, #tpu.memory_space<semaphore_mem>>) src(%dma_wait3A_107 : memref<10240x64xf32, #tpu.memory_space<vmem_shared>>) dst(%arg11 : memref<128x64xf32, #tpu.memory_space<vmem>>)
      %add3A_108 = arith.constant 2 : i32
      %add3A_109 = arith.addi %mul3A_59, %add3A_108 : i32
      "tpu.region"() ({
        %run_scoped3A = tpu.sem_alloc : memref<!tpu.dma_semaphore, #tpu.memory_space<semaphore_mem>>
        %dma_start3A_120 = arith.constant 0 : i32
        %dma_start3A_121 = tpu.memref_slice %arg8[%add3A_109, %dma_start3A_120] : memref<84x128xi32, #tpu.memory_space<vmem>> -> memref<1x128xi32, #tpu.memory_space<vmem>>
        %dma_start3A_122 = tpu.memref_squeeze %dma_start3A_121 : memref<1x128xi32, #tpu.memory_space<vmem>> -> memref<128xi32, #tpu.memory_space<vmem>>
        %dma_start3A_123 = arith.constant 0 : i32
        %dma_start3A_124 = arith.constant 0 : i32
        %dma_start3A_125 = tpu.memref_slice %arg13[%dma_start3A_123, %dma_start3A_124] : memref<10240x64xf32, #tpu.memory_space<vmem_shared>> -> memref<10240x64xf32, #tpu.memory_space<vmem_shared>>
        tpu.enqueue_indirect_dma source(%arg11 : memref<128x64xf32, #tpu.memory_space<vmem>>) target(%dma_start3A_125 : memref<10240x64xf32, #tpu.memory_space<vmem_shared>>) offsets(%dma_start3A_122 : memref<128xi32, #tpu.memory_space<vmem>>) semaphore(%run_scoped3A : memref<!tpu.dma_semaphore, #tpu.memory_space<semaphore_mem>>) {add = true}
        %dma_wait3A_126 = arith.constant 0 : i32
        %dma_wait3A_127 = tpu.memref_slice %arg8[%add3A_109, %dma_wait3A_126] : memref<84x128xi32, #tpu.memory_space<vmem>> -> memref<1x128xi32, #tpu.memory_space<vmem>>
        %dma_wait3A_128 = tpu.memref_squeeze %dma_wait3A_127 : memref<1x128xi32, #tpu.memory_space<vmem>> -> memref<128xi32, #tpu.memory_space<vmem>>
        %dma_wait3A_129 = arith.constant 0 : i32
        %dma_wait3A_130 = arith.constant 0 : i32
        %dma_wait3A_131 = tpu.memref_slice %arg13[%dma_wait3A_129, %dma_wait3A_130] : memref<10240x64xf32, #tpu.memory_space<vmem_shared>> -> memref<10240x64xf32, #tpu.memory_space<vmem_shared>>
        tpu.wait_indirect_dma semaphore(%run_scoped3A : memref<!tpu.dma_semaphore, #tpu.memory_space<semaphore_mem>>) src(%arg11 : memref<128x64xf32, #tpu.memory_space<vmem>>) dst(%dma_wait3A_131 : memref<10240x64xf32, #tpu.memory_space<vmem_shared>>)
        tpu.yield
      }) : () -> ()
      %add3A_110 = arith.constant 2 : i32
      %add3A_111 = arith.addi %mul3A_59, %add3A_110 : i32
      %add3A_112 = arith.constant 3 : i32
      %add3A_113 = arith.addi %add3A_111, %add3A_112 : i32
      %dma_start3A_114 = arith.constant 0 : i32
      %dma_start3A_115 = tpu.memref_slice %arg7[%add3A_113, %dma_start3A_114] : memref<84x128xi32, #tpu.memory_space<vmem>> -> memref<1x128xi32, #tpu.memory_space<vmem>>
      %dma_start3A_116 = tpu.memref_squeeze %dma_start3A_115 : memref<1x128xi32, #tpu.memory_space<vmem>> -> memref<128xi32, #tpu.memory_space<vmem>>
      %dma_start3A_117 = arith.constant 0 : i32
      %dma_start3A_118 = arith.constant 0 : i32
      %dma_start3A_119 = tpu.memref_slice %arg12[%dma_start3A_117, %dma_start3A_118] : memref<10240x64xf32, #tpu.memory_space<vmem_shared>> -> memref<10240x64xf32, #tpu.memory_space<vmem_shared>>
      tpu.enqueue_indirect_dma source(%dma_start3A_119 : memref<10240x64xf32, #tpu.memory_space<vmem_shared>>) target(%arg11 : memref<128x64xf32, #tpu.memory_space<vmem>>) offsets(%dma_start3A_116 : memref<128xi32, #tpu.memory_space<vmem>>) semaphore(%arg16 : memref<!tpu.dma_semaphore, #tpu.memory_space<semaphore_mem>>)
    }
    %scan3A_31 = arith.constant 27 : i32
    %dma_wait3A = arith.constant 81 : i32
    %dma_wait3A_32 = arith.constant 0 : i32
    %dma_wait3A_33 = tpu.memref_slice %arg7[%dma_wait3A, %dma_wait3A_32] : memref<84x128xi32, #tpu.memory_space<vmem>> -> memref<1x128xi32, #tpu.memory_space<vmem>>
    %dma_wait3A_34 = tpu.memref_squeeze %dma_wait3A_33 : memref<1x128xi32, #tpu.memory_space<vmem>> -> memref<128xi32, #tpu.memory_space<vmem>>
    %dma_wait3A_35 = arith.constant 0 : i32
    %dma_wait3A_36 = arith.constant 0 : i32
    %dma_wait3A_37 = tpu.memref_slice %arg12[%dma_wait3A_35, %dma_wait3A_36] : memref<10240x64xf32, #tpu.memory_space<vmem_shared>> -> memref<10240x64xf32, #tpu.memory_space<vmem_shared>>
    tpu.wait_indirect_dma semaphore(%arg14 : memref<!tpu.dma_semaphore, #tpu.memory_space<semaphore_mem>>) src(%dma_wait3A_37 : memref<10240x64xf32, #tpu.memory_space<vmem_shared>>) dst(%arg9 : memref<128x64xf32, #tpu.memory_space<vmem>>)
    %dma_wait3A_38 = arith.constant 82 : i32
    %dma_wait3A_39 = arith.constant 0 : i32
    %dma_wait3A_40 = tpu.memref_slice %arg7[%dma_wait3A_38, %dma_wait3A_39] : memref<84x128xi32, #tpu.memory_space<vmem>> -> memref<1x128xi32, #tpu.memory_space<vmem>>
    %dma_wait3A_41 = tpu.memref_squeeze %dma_wait3A_40 : memref<1x128xi32, #tpu.memory_space<vmem>> -> memref<128xi32, #tpu.memory_space<vmem>>
    %dma_wait3A_42 = arith.constant 0 : i32
    %dma_wait3A_43 = arith.constant 0 : i32
    %dma_wait3A_44 = tpu.memref_slice %arg12[%dma_wait3A_42, %dma_wait3A_43] : memref<10240x64xf32, #tpu.memory_space<vmem_shared>> -> memref<10240x64xf32, #tpu.memory_space<vmem_shared>>
    tpu.wait_indirect_dma semaphore(%arg15 : memref<!tpu.dma_semaphore, #tpu.memory_space<semaphore_mem>>) src(%dma_wait3A_44 : memref<10240x64xf32, #tpu.memory_space<vmem_shared>>) dst(%arg10 : memref<128x64xf32, #tpu.memory_space<vmem>>)
    %dma_wait3A_45 = arith.constant 83 : i32
    %dma_wait3A_46 = arith.constant 0 : i32
    %dma_wait3A_47 = tpu.memref_slice %arg7[%dma_wait3A_45, %dma_wait3A_46] : memref<84x128xi32, #tpu.memory_space<vmem>> -> memref<1x128xi32, #tpu.memory_space<vmem>>
    %dma_wait3A_48 = tpu.memref_squeeze %dma_wait3A_47 : memref<1x128xi32, #tpu.memory_space<vmem>> -> memref<128xi32, #tpu.memory_space<vmem>>
    %dma_wait3A_49 = arith.constant 0 : i32
    %dma_wait3A_50 = arith.constant 0 : i32
    %dma_wait3A_51 = tpu.memref_slice %arg12[%dma_wait3A_49, %dma_wait3A_50] : memref<10240x64xf32, #tpu.memory_space<vmem_shared>> -> memref<10240x64xf32, #tpu.memory_space<vmem_shared>>
    tpu.wait_indirect_dma semaphore(%arg16 : memref<!tpu.dma_semaphore, #tpu.memory_space<semaphore_mem>>) src(%dma_wait3A_51 : memref<10240x64xf32, #tpu.memory_space<vmem_shared>>) dst(%arg11 : memref<128x64xf32, #tpu.memory_space<vmem>>)
    %barrier3A_52 = arith.constant 0 : index
    tpu.barrier barrier_id(%barrier3A_52)
    %mul3A_53 = arith.constant 640 : i32
    %mul3A_54 = arith.muli %arg1, %mul3A_53 : i32
    %mul3A_55 = arith.constant 640 : i32
    %mul3A_56 = arith.muli %arg1, %mul3A_55 : i32
    "tpu.region"() ({
      %run_scoped3A = tpu.sem_alloc : memref<!tpu.dma_semaphore, #tpu.memory_space<semaphore_mem>>
      %dma_start3A_57 = arith.constant 0 : i32
      %dma_start3A_58 = tpu.memref_slice %arg6[%arg0, %mul3A_56, %dma_start3A_57] : memref<2x10240x64xf32, #tpu.memory_space<hbm>> -> memref<1x640x64xf32, #tpu.memory_space<hbm>>
      %dma_start3A_59 = tpu.memref_squeeze %dma_start3A_58 : memref<1x640x64xf32, #tpu.memory_space<hbm>> -> memref<640x64xf32, #tpu.memory_space<hbm>>
      %dma_start3A_60 = arith.constant 0 : i32
      %dma_start3A_61 = tpu.memref_slice %arg13[%mul3A_54, %dma_start3A_60] : memref<10240x64xf32, #tpu.memory_space<vmem_shared>> -> memref<640x64xf32, #tpu.memory_space<vmem_shared>>
      tpu.enqueue_dma source(%dma_start3A_61 : memref<640x64xf32, #tpu.memory_space<vmem_shared>>) target(%dma_start3A_59 : memref<640x64xf32, #tpu.memory_space<hbm>>) target_semaphore(%run_scoped3A : memref<!tpu.dma_semaphore, #tpu.memory_space<semaphore_mem>>)
      %dma_wait3A_62 = arith.constant 0 : i32
      %dma_wait3A_63 = tpu.memref_slice %arg6[%arg0, %mul3A_56, %dma_wait3A_62] : memref<2x10240x64xf32, #tpu.memory_space<hbm>> -> memref<1x640x64xf32, #tpu.memory_space<hbm>>
      %dma_wait3A_64 = tpu.memref_squeeze %dma_wait3A_63 : memref<1x640x64xf32, #tpu.memory_space<hbm>> -> memref<640x64xf32, #tpu.memory_space<hbm>>
      %dma_wait3A_65 = arith.constant 0 : i32
      %dma_wait3A_66 = tpu.memref_slice %arg13[%mul3A_54, %dma_wait3A_65] : memref<10240x64xf32, #tpu.memory_space<vmem_shared>> -> memref<640x64xf32, #tpu.memory_space<vmem_shared>>
      tpu.wait_dma2 semaphore(%run_scoped3A : memref<!tpu.dma_semaphore, #tpu.memory_space<semaphore_mem>>) src(%dma_wait3A_66 : memref<640x64xf32, #tpu.memory_space<vmem_shared>>) dst(%dma_wait3A_64 : memref<640x64xf32, #tpu.memory_space<hbm>>)
      tpu.yield
    }) : () -> ()
    return
  }
}

#map = affine_map<(d0, d1) -> (0, 0)>
#map1 = affine_map<(d0, d1) -> (0, 0, 0)>
module attributes {stable_mosaic.version = 14 : i64} {
  func.func @agg(%arg0: i32, %arg1: i32, %arg2: memref<10240x32xf32, #tpu.memory_space<hbm>>, %arg3: memref<32x84x128xi32, #tpu.memory_space<hbm>>, %arg4: memref<32x84x128xi32, #tpu.memory_space<hbm>>, %arg5: memref<640x32xf32, #tpu.memory_space<hbm>>, %arg6: memref<2x10240x32xf32, #tpu.memory_space<hbm>>, %arg7: memref<84x128xi32, #tpu.memory_space<vmem>>, %arg8: memref<84x128xi32, #tpu.memory_space<vmem>>, %arg9: memref<128x32xf32, #tpu.memory_space<vmem>>, %arg10: memref<128x32xf32, #tpu.memory_space<vmem>>, %arg11: memref<128x32xf32, #tpu.memory_space<vmem>>, %arg12: memref<10240x32xf32, #tpu.memory_space<vmem_shared>>, %arg13: memref<10240x32xf32, #tpu.memory_space<vmem_shared>>, %arg14: memref<!tpu.dma_semaphore, #tpu.memory_space<semaphore_mem>>, %arg15: memref<!tpu.dma_semaphore, #tpu.memory_space<semaphore_mem>>, %arg16: memref<!tpu.dma_semaphore, #tpu.memory_space<semaphore_mem>>) attributes {dimension_semantics = [#tpu.dimension_semantics<core_parallel>, #tpu.dimension_semantics<subcore_parallel>], iteration_bounds = array<i64: 2, 16>, scalar_prefetch = 0 : i64, scratch_operands = 10 : i64, tpu.core_type = #tpu.core_type<sc_vector_subcore>, window_params = [{transform_indices = #map}, {transform_indices = #map1}, {transform_indices = #map1}, {transform_indices = #map}, {transform_indices = #map1}]} {
    %mul3A = arith.constant 2 : i32
    %mul3A_0 = arith.muli %arg1, %mul3A : i32
    %add3A = arith.addi %mul3A_0, %arg0 : i32
    %mul3A_1 = arith.constant 640 : i32
    %mul3A_2 = arith.muli %arg1, %mul3A_1 : i32
    %mul3A_3 = arith.constant 640 : i32
    %mul3A_4 = arith.muli %arg1, %mul3A_3 : i32
    "tpu.region"() ({
      %run_scoped3A = tpu.sem_alloc : memref<!tpu.dma_semaphore, #tpu.memory_space<semaphore_mem>>
      %dma_start3A_57 = arith.constant 0 : i32
      %dma_start3A_58 = tpu.memref_slice %arg12[%mul3A_4, %dma_start3A_57] : memref<10240x32xf32, #tpu.memory_space<vmem_shared>> -> memref<640x32xf32, #tpu.memory_space<vmem_shared>>
      %dma_start3A_59 = arith.constant 0 : i32
      %dma_start3A_60 = tpu.memref_slice %arg2[%mul3A_2, %dma_start3A_59] : memref<10240x32xf32, #tpu.memory_space<hbm>> -> memref<640x32xf32, #tpu.memory_space<hbm>>
      tpu.enqueue_dma source(%dma_start3A_60 : memref<640x32xf32, #tpu.memory_space<hbm>>) target(%dma_start3A_58 : memref<640x32xf32, #tpu.memory_space<vmem_shared>>) target_semaphore(%run_scoped3A : memref<!tpu.dma_semaphore, #tpu.memory_space<semaphore_mem>>)
      %dma_wait3A_61 = arith.constant 0 : i32
      %dma_wait3A_62 = tpu.memref_slice %arg12[%mul3A_4, %dma_wait3A_61] : memref<10240x32xf32, #tpu.memory_space<vmem_shared>> -> memref<640x32xf32, #tpu.memory_space<vmem_shared>>
      %dma_wait3A_63 = arith.constant 0 : i32
      %dma_wait3A_64 = tpu.memref_slice %arg2[%mul3A_2, %dma_wait3A_63] : memref<10240x32xf32, #tpu.memory_space<hbm>> -> memref<640x32xf32, #tpu.memory_space<hbm>>
      tpu.wait_dma2 semaphore(%run_scoped3A : memref<!tpu.dma_semaphore, #tpu.memory_space<semaphore_mem>>) src(%dma_wait3A_64 : memref<640x32xf32, #tpu.memory_space<hbm>>) dst(%dma_wait3A_62 : memref<640x32xf32, #tpu.memory_space<vmem_shared>>)
      tpu.yield
    }) : () -> ()
    %mul3A_5 = arith.constant 640 : i32
    %mul3A_6 = arith.muli %arg1, %mul3A_5 : i32
    "tpu.region"() ({
      %run_scoped3A = tpu.sem_alloc : memref<!tpu.dma_semaphore, #tpu.memory_space<semaphore_mem>>
      %dma_start3A_57 = arith.constant 0 : i32
      %dma_start3A_58 = tpu.memref_slice %arg13[%mul3A_6, %dma_start3A_57] : memref<10240x32xf32, #tpu.memory_space<vmem_shared>> -> memref<640x32xf32, #tpu.memory_space<vmem_shared>>
      tpu.enqueue_dma source(%arg5 : memref<640x32xf32, #tpu.memory_space<hbm>>) target(%dma_start3A_58 : memref<640x32xf32, #tpu.memory_space<vmem_shared>>) target_semaphore(%run_scoped3A : memref<!tpu.dma_semaphore, #tpu.memory_space<semaphore_mem>>)
      %dma_wait3A_59 = arith.constant 0 : i32
      %dma_wait3A_60 = tpu.memref_slice %arg13[%mul3A_6, %dma_wait3A_59] : memref<10240x32xf32, #tpu.memory_space<vmem_shared>> -> memref<640x32xf32, #tpu.memory_space<vmem_shared>>
      tpu.wait_dma2 semaphore(%run_scoped3A : memref<!tpu.dma_semaphore, #tpu.memory_space<semaphore_mem>>) src(%arg5 : memref<640x32xf32, #tpu.memory_space<hbm>>) dst(%dma_wait3A_60 : memref<640x32xf32, #tpu.memory_space<vmem_shared>>)
      tpu.yield
    }) : () -> ()
    "tpu.region"() ({
      %run_scoped3A = tpu.sem_alloc : memref<!tpu.dma_semaphore, #tpu.memory_space<semaphore_mem>>
      %dma_start3A_57 = arith.constant 0 : i32
      %dma_start3A_58 = arith.constant 0 : i32
      %dma_start3A_59 = tpu.memref_slice %arg3[%add3A, %dma_start3A_57, %dma_start3A_58] : memref<32x84x128xi32, #tpu.memory_space<hbm>> -> memref<1x84x128xi32, #tpu.memory_space<hbm>>
      %dma_start3A_60 = tpu.memref_squeeze %dma_start3A_59 : memref<1x84x128xi32, #tpu.memory_space<hbm>> -> memref<84x128xi32, #tpu.memory_space<hbm>>
      %dma_start3A_61 = arith.constant 0 : i32
      %dma_start3A_62 = arith.constant 0 : i32
      %dma_start3A_63 = tpu.memref_slice %arg3[%add3A, %dma_start3A_61, %dma_start3A_62] : memref<32x84x128xi32, #tpu.memory_space<hbm>> -> memref<1x84x128xi32, #tpu.memory_space<hbm>>
      %dma_start3A_64 = tpu.memref_squeeze %dma_start3A_63 : memref<1x84x128xi32, #tpu.memory_space<hbm>> -> memref<84x128xi32, #tpu.memory_space<hbm>>
      tpu.enqueue_dma source(%dma_start3A_64 : memref<84x128xi32, #tpu.memory_space<hbm>>) target(%arg7 : memref<84x128xi32, #tpu.memory_space<vmem>>) target_semaphore(%run_scoped3A : memref<!tpu.dma_semaphore, #tpu.memory_space<semaphore_mem>>)
      %dma_wait3A_65 = arith.constant 0 : i32
      %dma_wait3A_66 = arith.constant 0 : i32
      %dma_wait3A_67 = tpu.memref_slice %arg3[%add3A, %dma_wait3A_65, %dma_wait3A_66] : memref<32x84x128xi32, #tpu.memory_space<hbm>> -> memref<1x84x128xi32, #tpu.memory_space<hbm>>
      %dma_wait3A_68 = tpu.memref_squeeze %dma_wait3A_67 : memref<1x84x128xi32, #tpu.memory_space<hbm>> -> memref<84x128xi32, #tpu.memory_space<hbm>>
      %dma_wait3A_69 = arith.constant 0 : i32
      %dma_wait3A_70 = arith.constant 0 : i32
      %dma_wait3A_71 = tpu.memref_slice %arg3[%add3A, %dma_wait3A_69, %dma_wait3A_70] : memref<32x84x128xi32, #tpu.memory_space<hbm>> -> memref<1x84x128xi32, #tpu.memory_space<hbm>>
      %dma_wait3A_72 = tpu.memref_squeeze %dma_wait3A_71 : memref<1x84x128xi32, #tpu.memory_space<hbm>> -> memref<84x128xi32, #tpu.memory_space<hbm>>
      tpu.wait_dma2 semaphore(%run_scoped3A : memref<!tpu.dma_semaphore, #tpu.memory_space<semaphore_mem>>) src(%dma_wait3A_72 : memref<84x128xi32, #tpu.memory_space<hbm>>) dst(%arg7 : memref<84x128xi32, #tpu.memory_space<vmem>>)
      tpu.yield
    }) : () -> ()
    "tpu.region"() ({
      %run_scoped3A = tpu.sem_alloc : memref<!tpu.dma_semaphore, #tpu.memory_space<semaphore_mem>>
      %dma_start3A_57 = arith.constant 0 : i32
      %dma_start3A_58 = arith.constant 0 : i32
      %dma_start3A_59 = tpu.memref_slice %arg4[%add3A, %dma_start3A_57, %dma_start3A_58] : memref<32x84x128xi32, #tpu.memory_space<hbm>> -> memref<1x84x128xi32, #tpu.memory_space<hbm>>
      %dma_start3A_60 = tpu.memref_squeeze %dma_start3A_59 : memref<1x84x128xi32, #tpu.memory_space<hbm>> -> memref<84x128xi32, #tpu.memory_space<hbm>>
      %dma_start3A_61 = arith.constant 0 : i32
      %dma_start3A_62 = arith.constant 0 : i32
      %dma_start3A_63 = tpu.memref_slice %arg4[%add3A, %dma_start3A_61, %dma_start3A_62] : memref<32x84x128xi32, #tpu.memory_space<hbm>> -> memref<1x84x128xi32, #tpu.memory_space<hbm>>
      %dma_start3A_64 = tpu.memref_squeeze %dma_start3A_63 : memref<1x84x128xi32, #tpu.memory_space<hbm>> -> memref<84x128xi32, #tpu.memory_space<hbm>>
      tpu.enqueue_dma source(%dma_start3A_64 : memref<84x128xi32, #tpu.memory_space<hbm>>) target(%arg8 : memref<84x128xi32, #tpu.memory_space<vmem>>) target_semaphore(%run_scoped3A : memref<!tpu.dma_semaphore, #tpu.memory_space<semaphore_mem>>)
      %dma_wait3A_65 = arith.constant 0 : i32
      %dma_wait3A_66 = arith.constant 0 : i32
      %dma_wait3A_67 = tpu.memref_slice %arg4[%add3A, %dma_wait3A_65, %dma_wait3A_66] : memref<32x84x128xi32, #tpu.memory_space<hbm>> -> memref<1x84x128xi32, #tpu.memory_space<hbm>>
      %dma_wait3A_68 = tpu.memref_squeeze %dma_wait3A_67 : memref<1x84x128xi32, #tpu.memory_space<hbm>> -> memref<84x128xi32, #tpu.memory_space<hbm>>
      %dma_wait3A_69 = arith.constant 0 : i32
      %dma_wait3A_70 = arith.constant 0 : i32
      %dma_wait3A_71 = tpu.memref_slice %arg4[%add3A, %dma_wait3A_69, %dma_wait3A_70] : memref<32x84x128xi32, #tpu.memory_space<hbm>> -> memref<1x84x128xi32, #tpu.memory_space<hbm>>
      %dma_wait3A_72 = tpu.memref_squeeze %dma_wait3A_71 : memref<1x84x128xi32, #tpu.memory_space<hbm>> -> memref<84x128xi32, #tpu.memory_space<hbm>>
      tpu.wait_dma2 semaphore(%run_scoped3A : memref<!tpu.dma_semaphore, #tpu.memory_space<semaphore_mem>>) src(%dma_wait3A_72 : memref<84x128xi32, #tpu.memory_space<hbm>>) dst(%arg8 : memref<84x128xi32, #tpu.memory_space<vmem>>)
      tpu.yield
    }) : () -> ()
    %barrier3A = arith.constant 0 : index
    tpu.barrier barrier_id(%barrier3A)
    %dma_start3A = arith.constant 0 : i32
    %dma_start3A_7 = arith.constant 0 : i32
    %dma_start3A_8 = tpu.memref_slice %arg7[%dma_start3A, %dma_start3A_7] : memref<84x128xi32, #tpu.memory_space<vmem>> -> memref<1x128xi32, #tpu.memory_space<vmem>>
    %dma_start3A_9 = tpu.memref_squeeze %dma_start3A_8 : memref<1x128xi32, #tpu.memory_space<vmem>> -> memref<128xi32, #tpu.memory_space<vmem>>
    %dma_start3A_10 = arith.constant 0 : i32
    %dma_start3A_11 = arith.constant 0 : i32
    %dma_start3A_12 = tpu.memref_slice %arg12[%dma_start3A_10, %dma_start3A_11] : memref<10240x32xf32, #tpu.memory_space<vmem_shared>> -> memref<10240x32xf32, #tpu.memory_space<vmem_shared>>
    tpu.enqueue_indirect_dma source(%dma_start3A_12 : memref<10240x32xf32, #tpu.memory_space<vmem_shared>>) target(%arg9 : memref<128x32xf32, #tpu.memory_space<vmem>>) offsets(%dma_start3A_9 : memref<128xi32, #tpu.memory_space<vmem>>) semaphore(%arg14 : memref<!tpu.dma_semaphore, #tpu.memory_space<semaphore_mem>>)
    %dma_start3A_13 = arith.constant 1 : i32
    %dma_start3A_14 = arith.constant 0 : i32
    %dma_start3A_15 = tpu.memref_slice %arg7[%dma_start3A_13, %dma_start3A_14] : memref<84x128xi32, #tpu.memory_space<vmem>> -> memref<1x128xi32, #tpu.memory_space<vmem>>
    %dma_start3A_16 = tpu.memref_squeeze %dma_start3A_15 : memref<1x128xi32, #tpu.memory_space<vmem>> -> memref<128xi32, #tpu.memory_space<vmem>>
    %dma_start3A_17 = arith.constant 0 : i32
    %dma_start3A_18 = arith.constant 0 : i32
    %dma_start3A_19 = tpu.memref_slice %arg12[%dma_start3A_17, %dma_start3A_18] : memref<10240x32xf32, #tpu.memory_space<vmem_shared>> -> memref<10240x32xf32, #tpu.memory_space<vmem_shared>>
    tpu.enqueue_indirect_dma source(%dma_start3A_19 : memref<10240x32xf32, #tpu.memory_space<vmem_shared>>) target(%arg10 : memref<128x32xf32, #tpu.memory_space<vmem>>) offsets(%dma_start3A_16 : memref<128xi32, #tpu.memory_space<vmem>>) semaphore(%arg15 : memref<!tpu.dma_semaphore, #tpu.memory_space<semaphore_mem>>)
    %dma_start3A_20 = arith.constant 2 : i32
    %dma_start3A_21 = arith.constant 0 : i32
    %dma_start3A_22 = tpu.memref_slice %arg7[%dma_start3A_20, %dma_start3A_21] : memref<84x128xi32, #tpu.memory_space<vmem>> -> memref<1x128xi32, #tpu.memory_space<vmem>>
    %dma_start3A_23 = tpu.memref_squeeze %dma_start3A_22 : memref<1x128xi32, #tpu.memory_space<vmem>> -> memref<128xi32, #tpu.memory_space<vmem>>
    %dma_start3A_24 = arith.constant 0 : i32
    %dma_start3A_25 = arith.constant 0 : i32
    %dma_start3A_26 = tpu.memref_slice %arg12[%dma_start3A_24, %dma_start3A_25] : memref<10240x32xf32, #tpu.memory_space<vmem_shared>> -> memref<10240x32xf32, #tpu.memory_space<vmem_shared>>
    tpu.enqueue_indirect_dma source(%dma_start3A_26 : memref<10240x32xf32, #tpu.memory_space<vmem_shared>>) target(%arg11 : memref<128x32xf32, #tpu.memory_space<vmem>>) offsets(%dma_start3A_23 : memref<128xi32, #tpu.memory_space<vmem>>) semaphore(%arg16 : memref<!tpu.dma_semaphore, #tpu.memory_space<semaphore_mem>>)
    %scan3A = arith.constant 0 : i32
    %scan3A_27 = arith.constant 0 : i32
    %scan3A_28 = arith.constant 27 : i32
    %scan3A_29 = arith.addi %scan3A_27, %scan3A_28 : i32
    %scan3A_30 = arith.constant 1 : i32
    scf.for %scan3A_57 = %scan3A_27 to %scan3A_29 step %scan3A_30  : i32 {
      %mul3A_58 = arith.constant 3 : i32
      %mul3A_59 = arith.muli %mul3A_58, %scan3A_57 : i32
      %add3A_60 = arith.constant 0 : i32
      %add3A_61 = arith.addi %mul3A_59, %add3A_60 : i32
      %dma_wait3A_62 = arith.constant 0 : i32
      %dma_wait3A_63 = tpu.memref_slice %arg7[%add3A_61, %dma_wait3A_62] : memref<84x128xi32, #tpu.memory_space<vmem>> -> memref<1x128xi32, #tpu.memory_space<vmem>>
      %dma_wait3A_64 = tpu.memref_squeeze %dma_wait3A_63 : memref<1x128xi32, #tpu.memory_space<vmem>> -> memref<128xi32, #tpu.memory_space<vmem>>
      %dma_wait3A_65 = arith.constant 0 : i32
      %dma_wait3A_66 = arith.constant 0 : i32
      %dma_wait3A_67 = tpu.memref_slice %arg12[%dma_wait3A_65, %dma_wait3A_66] : memref<10240x32xf32, #tpu.memory_space<vmem_shared>> -> memref<10240x32xf32, #tpu.memory_space<vmem_shared>>
      tpu.wait_indirect_dma semaphore(%arg14 : memref<!tpu.dma_semaphore, #tpu.memory_space<semaphore_mem>>) src(%dma_wait3A_67 : memref<10240x32xf32, #tpu.memory_space<vmem_shared>>) dst(%arg9 : memref<128x32xf32, #tpu.memory_space<vmem>>)
      %add3A_68 = arith.constant 0 : i32
      %add3A_69 = arith.addi %mul3A_59, %add3A_68 : i32
      "tpu.region"() ({
        %run_scoped3A = tpu.sem_alloc : memref<!tpu.dma_semaphore, #tpu.memory_space<semaphore_mem>>
        %dma_start3A_120 = arith.constant 0 : i32
        %dma_start3A_121 = tpu.memref_slice %arg8[%add3A_69, %dma_start3A_120] : memref<84x128xi32, #tpu.memory_space<vmem>> -> memref<1x128xi32, #tpu.memory_space<vmem>>
        %dma_start3A_122 = tpu.memref_squeeze %dma_start3A_121 : memref<1x128xi32, #tpu.memory_space<vmem>> -> memref<128xi32, #tpu.memory_space<vmem>>
        %dma_start3A_123 = arith.constant 0 : i32
        %dma_start3A_124 = arith.constant 0 : i32
        %dma_start3A_125 = tpu.memref_slice %arg13[%dma_start3A_123, %dma_start3A_124] : memref<10240x32xf32, #tpu.memory_space<vmem_shared>> -> memref<10240x32xf32, #tpu.memory_space<vmem_shared>>
        tpu.enqueue_indirect_dma source(%arg9 : memref<128x32xf32, #tpu.memory_space<vmem>>) target(%dma_start3A_125 : memref<10240x32xf32, #tpu.memory_space<vmem_shared>>) offsets(%dma_start3A_122 : memref<128xi32, #tpu.memory_space<vmem>>) semaphore(%run_scoped3A : memref<!tpu.dma_semaphore, #tpu.memory_space<semaphore_mem>>) {add = true}
        %dma_wait3A_126 = arith.constant 0 : i32
        %dma_wait3A_127 = tpu.memref_slice %arg8[%add3A_69, %dma_wait3A_126] : memref<84x128xi32, #tpu.memory_space<vmem>> -> memref<1x128xi32, #tpu.memory_space<vmem>>
        %dma_wait3A_128 = tpu.memref_squeeze %dma_wait3A_127 : memref<1x128xi32, #tpu.memory_space<vmem>> -> memref<128xi32, #tpu.memory_space<vmem>>
        %dma_wait3A_129 = arith.constant 0 : i32
        %dma_wait3A_130 = arith.constant 0 : i32
        %dma_wait3A_131 = tpu.memref_slice %arg13[%dma_wait3A_129, %dma_wait3A_130] : memref<10240x32xf32, #tpu.memory_space<vmem_shared>> -> memref<10240x32xf32, #tpu.memory_space<vmem_shared>>
        tpu.wait_indirect_dma semaphore(%run_scoped3A : memref<!tpu.dma_semaphore, #tpu.memory_space<semaphore_mem>>) src(%arg9 : memref<128x32xf32, #tpu.memory_space<vmem>>) dst(%dma_wait3A_131 : memref<10240x32xf32, #tpu.memory_space<vmem_shared>>)
        tpu.yield
      }) : () -> ()
      %add3A_70 = arith.constant 0 : i32
      %add3A_71 = arith.addi %mul3A_59, %add3A_70 : i32
      %add3A_72 = arith.constant 3 : i32
      %add3A_73 = arith.addi %add3A_71, %add3A_72 : i32
      %dma_start3A_74 = arith.constant 0 : i32
      %dma_start3A_75 = tpu.memref_slice %arg7[%add3A_73, %dma_start3A_74] : memref<84x128xi32, #tpu.memory_space<vmem>> -> memref<1x128xi32, #tpu.memory_space<vmem>>
      %dma_start3A_76 = tpu.memref_squeeze %dma_start3A_75 : memref<1x128xi32, #tpu.memory_space<vmem>> -> memref<128xi32, #tpu.memory_space<vmem>>
      %dma_start3A_77 = arith.constant 0 : i32
      %dma_start3A_78 = arith.constant 0 : i32
      %dma_start3A_79 = tpu.memref_slice %arg12[%dma_start3A_77, %dma_start3A_78] : memref<10240x32xf32, #tpu.memory_space<vmem_shared>> -> memref<10240x32xf32, #tpu.memory_space<vmem_shared>>
      tpu.enqueue_indirect_dma source(%dma_start3A_79 : memref<10240x32xf32, #tpu.memory_space<vmem_shared>>) target(%arg9 : memref<128x32xf32, #tpu.memory_space<vmem>>) offsets(%dma_start3A_76 : memref<128xi32, #tpu.memory_space<vmem>>) semaphore(%arg14 : memref<!tpu.dma_semaphore, #tpu.memory_space<semaphore_mem>>)
      %add3A_80 = arith.constant 1 : i32
      %add3A_81 = arith.addi %mul3A_59, %add3A_80 : i32
      %dma_wait3A_82 = arith.constant 0 : i32
      %dma_wait3A_83 = tpu.memref_slice %arg7[%add3A_81, %dma_wait3A_82] : memref<84x128xi32, #tpu.memory_space<vmem>> -> memref<1x128xi32, #tpu.memory_space<vmem>>
      %dma_wait3A_84 = tpu.memref_squeeze %dma_wait3A_83 : memref<1x128xi32, #tpu.memory_space<vmem>> -> memref<128xi32, #tpu.memory_space<vmem>>
      %dma_wait3A_85 = arith.constant 0 : i32
      %dma_wait3A_86 = arith.constant 0 : i32
      %dma_wait3A_87 = tpu.memref_slice %arg12[%dma_wait3A_85, %dma_wait3A_86] : memref<10240x32xf32, #tpu.memory_space<vmem_shared>> -> memref<10240x32xf32, #tpu.memory_space<vmem_shared>>
      tpu.wait_indirect_dma semaphore(%arg15 : memref<!tpu.dma_semaphore, #tpu.memory_space<semaphore_mem>>) src(%dma_wait3A_87 : memref<10240x32xf32, #tpu.memory_space<vmem_shared>>) dst(%arg10 : memref<128x32xf32, #tpu.memory_space<vmem>>)
      %add3A_88 = arith.constant 1 : i32
      %add3A_89 = arith.addi %mul3A_59, %add3A_88 : i32
      "tpu.region"() ({
        %run_scoped3A = tpu.sem_alloc : memref<!tpu.dma_semaphore, #tpu.memory_space<semaphore_mem>>
        %dma_start3A_120 = arith.constant 0 : i32
        %dma_start3A_121 = tpu.memref_slice %arg8[%add3A_89, %dma_start3A_120] : memref<84x128xi32, #tpu.memory_space<vmem>> -> memref<1x128xi32, #tpu.memory_space<vmem>>
        %dma_start3A_122 = tpu.memref_squeeze %dma_start3A_121 : memref<1x128xi32, #tpu.memory_space<vmem>> -> memref<128xi32, #tpu.memory_space<vmem>>
        %dma_start3A_123 = arith.constant 0 : i32
        %dma_start3A_124 = arith.constant 0 : i32
        %dma_start3A_125 = tpu.memref_slice %arg13[%dma_start3A_123, %dma_start3A_124] : memref<10240x32xf32, #tpu.memory_space<vmem_shared>> -> memref<10240x32xf32, #tpu.memory_space<vmem_shared>>
        tpu.enqueue_indirect_dma source(%arg10 : memref<128x32xf32, #tpu.memory_space<vmem>>) target(%dma_start3A_125 : memref<10240x32xf32, #tpu.memory_space<vmem_shared>>) offsets(%dma_start3A_122 : memref<128xi32, #tpu.memory_space<vmem>>) semaphore(%run_scoped3A : memref<!tpu.dma_semaphore, #tpu.memory_space<semaphore_mem>>) {add = true}
        %dma_wait3A_126 = arith.constant 0 : i32
        %dma_wait3A_127 = tpu.memref_slice %arg8[%add3A_89, %dma_wait3A_126] : memref<84x128xi32, #tpu.memory_space<vmem>> -> memref<1x128xi32, #tpu.memory_space<vmem>>
        %dma_wait3A_128 = tpu.memref_squeeze %dma_wait3A_127 : memref<1x128xi32, #tpu.memory_space<vmem>> -> memref<128xi32, #tpu.memory_space<vmem>>
        %dma_wait3A_129 = arith.constant 0 : i32
        %dma_wait3A_130 = arith.constant 0 : i32
        %dma_wait3A_131 = tpu.memref_slice %arg13[%dma_wait3A_129, %dma_wait3A_130] : memref<10240x32xf32, #tpu.memory_space<vmem_shared>> -> memref<10240x32xf32, #tpu.memory_space<vmem_shared>>
        tpu.wait_indirect_dma semaphore(%run_scoped3A : memref<!tpu.dma_semaphore, #tpu.memory_space<semaphore_mem>>) src(%arg10 : memref<128x32xf32, #tpu.memory_space<vmem>>) dst(%dma_wait3A_131 : memref<10240x32xf32, #tpu.memory_space<vmem_shared>>)
        tpu.yield
      }) : () -> ()
      %add3A_90 = arith.constant 1 : i32
      %add3A_91 = arith.addi %mul3A_59, %add3A_90 : i32
      %add3A_92 = arith.constant 3 : i32
      %add3A_93 = arith.addi %add3A_91, %add3A_92 : i32
      %dma_start3A_94 = arith.constant 0 : i32
      %dma_start3A_95 = tpu.memref_slice %arg7[%add3A_93, %dma_start3A_94] : memref<84x128xi32, #tpu.memory_space<vmem>> -> memref<1x128xi32, #tpu.memory_space<vmem>>
      %dma_start3A_96 = tpu.memref_squeeze %dma_start3A_95 : memref<1x128xi32, #tpu.memory_space<vmem>> -> memref<128xi32, #tpu.memory_space<vmem>>
      %dma_start3A_97 = arith.constant 0 : i32
      %dma_start3A_98 = arith.constant 0 : i32
      %dma_start3A_99 = tpu.memref_slice %arg12[%dma_start3A_97, %dma_start3A_98] : memref<10240x32xf32, #tpu.memory_space<vmem_shared>> -> memref<10240x32xf32, #tpu.memory_space<vmem_shared>>
      tpu.enqueue_indirect_dma source(%dma_start3A_99 : memref<10240x32xf32, #tpu.memory_space<vmem_shared>>) target(%arg10 : memref<128x32xf32, #tpu.memory_space<vmem>>) offsets(%dma_start3A_96 : memref<128xi32, #tpu.memory_space<vmem>>) semaphore(%arg15 : memref<!tpu.dma_semaphore, #tpu.memory_space<semaphore_mem>>)
      %add3A_100 = arith.constant 2 : i32
      %add3A_101 = arith.addi %mul3A_59, %add3A_100 : i32
      %dma_wait3A_102 = arith.constant 0 : i32
      %dma_wait3A_103 = tpu.memref_slice %arg7[%add3A_101, %dma_wait3A_102] : memref<84x128xi32, #tpu.memory_space<vmem>> -> memref<1x128xi32, #tpu.memory_space<vmem>>
      %dma_wait3A_104 = tpu.memref_squeeze %dma_wait3A_103 : memref<1x128xi32, #tpu.memory_space<vmem>> -> memref<128xi32, #tpu.memory_space<vmem>>
      %dma_wait3A_105 = arith.constant 0 : i32
      %dma_wait3A_106 = arith.constant 0 : i32
      %dma_wait3A_107 = tpu.memref_slice %arg12[%dma_wait3A_105, %dma_wait3A_106] : memref<10240x32xf32, #tpu.memory_space<vmem_shared>> -> memref<10240x32xf32, #tpu.memory_space<vmem_shared>>
      tpu.wait_indirect_dma semaphore(%arg16 : memref<!tpu.dma_semaphore, #tpu.memory_space<semaphore_mem>>) src(%dma_wait3A_107 : memref<10240x32xf32, #tpu.memory_space<vmem_shared>>) dst(%arg11 : memref<128x32xf32, #tpu.memory_space<vmem>>)
      %add3A_108 = arith.constant 2 : i32
      %add3A_109 = arith.addi %mul3A_59, %add3A_108 : i32
      "tpu.region"() ({
        %run_scoped3A = tpu.sem_alloc : memref<!tpu.dma_semaphore, #tpu.memory_space<semaphore_mem>>
        %dma_start3A_120 = arith.constant 0 : i32
        %dma_start3A_121 = tpu.memref_slice %arg8[%add3A_109, %dma_start3A_120] : memref<84x128xi32, #tpu.memory_space<vmem>> -> memref<1x128xi32, #tpu.memory_space<vmem>>
        %dma_start3A_122 = tpu.memref_squeeze %dma_start3A_121 : memref<1x128xi32, #tpu.memory_space<vmem>> -> memref<128xi32, #tpu.memory_space<vmem>>
        %dma_start3A_123 = arith.constant 0 : i32
        %dma_start3A_124 = arith.constant 0 : i32
        %dma_start3A_125 = tpu.memref_slice %arg13[%dma_start3A_123, %dma_start3A_124] : memref<10240x32xf32, #tpu.memory_space<vmem_shared>> -> memref<10240x32xf32, #tpu.memory_space<vmem_shared>>
        tpu.enqueue_indirect_dma source(%arg11 : memref<128x32xf32, #tpu.memory_space<vmem>>) target(%dma_start3A_125 : memref<10240x32xf32, #tpu.memory_space<vmem_shared>>) offsets(%dma_start3A_122 : memref<128xi32, #tpu.memory_space<vmem>>) semaphore(%run_scoped3A : memref<!tpu.dma_semaphore, #tpu.memory_space<semaphore_mem>>) {add = true}
        %dma_wait3A_126 = arith.constant 0 : i32
        %dma_wait3A_127 = tpu.memref_slice %arg8[%add3A_109, %dma_wait3A_126] : memref<84x128xi32, #tpu.memory_space<vmem>> -> memref<1x128xi32, #tpu.memory_space<vmem>>
        %dma_wait3A_128 = tpu.memref_squeeze %dma_wait3A_127 : memref<1x128xi32, #tpu.memory_space<vmem>> -> memref<128xi32, #tpu.memory_space<vmem>>
        %dma_wait3A_129 = arith.constant 0 : i32
        %dma_wait3A_130 = arith.constant 0 : i32
        %dma_wait3A_131 = tpu.memref_slice %arg13[%dma_wait3A_129, %dma_wait3A_130] : memref<10240x32xf32, #tpu.memory_space<vmem_shared>> -> memref<10240x32xf32, #tpu.memory_space<vmem_shared>>
        tpu.wait_indirect_dma semaphore(%run_scoped3A : memref<!tpu.dma_semaphore, #tpu.memory_space<semaphore_mem>>) src(%arg11 : memref<128x32xf32, #tpu.memory_space<vmem>>) dst(%dma_wait3A_131 : memref<10240x32xf32, #tpu.memory_space<vmem_shared>>)
        tpu.yield
      }) : () -> ()
      %add3A_110 = arith.constant 2 : i32
      %add3A_111 = arith.addi %mul3A_59, %add3A_110 : i32
      %add3A_112 = arith.constant 3 : i32
      %add3A_113 = arith.addi %add3A_111, %add3A_112 : i32
      %dma_start3A_114 = arith.constant 0 : i32
      %dma_start3A_115 = tpu.memref_slice %arg7[%add3A_113, %dma_start3A_114] : memref<84x128xi32, #tpu.memory_space<vmem>> -> memref<1x128xi32, #tpu.memory_space<vmem>>
      %dma_start3A_116 = tpu.memref_squeeze %dma_start3A_115 : memref<1x128xi32, #tpu.memory_space<vmem>> -> memref<128xi32, #tpu.memory_space<vmem>>
      %dma_start3A_117 = arith.constant 0 : i32
      %dma_start3A_118 = arith.constant 0 : i32
      %dma_start3A_119 = tpu.memref_slice %arg12[%dma_start3A_117, %dma_start3A_118] : memref<10240x32xf32, #tpu.memory_space<vmem_shared>> -> memref<10240x32xf32, #tpu.memory_space<vmem_shared>>
      tpu.enqueue_indirect_dma source(%dma_start3A_119 : memref<10240x32xf32, #tpu.memory_space<vmem_shared>>) target(%arg11 : memref<128x32xf32, #tpu.memory_space<vmem>>) offsets(%dma_start3A_116 : memref<128xi32, #tpu.memory_space<vmem>>) semaphore(%arg16 : memref<!tpu.dma_semaphore, #tpu.memory_space<semaphore_mem>>)
    }
    %scan3A_31 = arith.constant 27 : i32
    %dma_wait3A = arith.constant 81 : i32
    %dma_wait3A_32 = arith.constant 0 : i32
    %dma_wait3A_33 = tpu.memref_slice %arg7[%dma_wait3A, %dma_wait3A_32] : memref<84x128xi32, #tpu.memory_space<vmem>> -> memref<1x128xi32, #tpu.memory_space<vmem>>
    %dma_wait3A_34 = tpu.memref_squeeze %dma_wait3A_33 : memref<1x128xi32, #tpu.memory_space<vmem>> -> memref<128xi32, #tpu.memory_space<vmem>>
    %dma_wait3A_35 = arith.constant 0 : i32
    %dma_wait3A_36 = arith.constant 0 : i32
    %dma_wait3A_37 = tpu.memref_slice %arg12[%dma_wait3A_35, %dma_wait3A_36] : memref<10240x32xf32, #tpu.memory_space<vmem_shared>> -> memref<10240x32xf32, #tpu.memory_space<vmem_shared>>
    tpu.wait_indirect_dma semaphore(%arg14 : memref<!tpu.dma_semaphore, #tpu.memory_space<semaphore_mem>>) src(%dma_wait3A_37 : memref<10240x32xf32, #tpu.memory_space<vmem_shared>>) dst(%arg9 : memref<128x32xf32, #tpu.memory_space<vmem>>)
    %dma_wait3A_38 = arith.constant 82 : i32
    %dma_wait3A_39 = arith.constant 0 : i32
    %dma_wait3A_40 = tpu.memref_slice %arg7[%dma_wait3A_38, %dma_wait3A_39] : memref<84x128xi32, #tpu.memory_space<vmem>> -> memref<1x128xi32, #tpu.memory_space<vmem>>
    %dma_wait3A_41 = tpu.memref_squeeze %dma_wait3A_40 : memref<1x128xi32, #tpu.memory_space<vmem>> -> memref<128xi32, #tpu.memory_space<vmem>>
    %dma_wait3A_42 = arith.constant 0 : i32
    %dma_wait3A_43 = arith.constant 0 : i32
    %dma_wait3A_44 = tpu.memref_slice %arg12[%dma_wait3A_42, %dma_wait3A_43] : memref<10240x32xf32, #tpu.memory_space<vmem_shared>> -> memref<10240x32xf32, #tpu.memory_space<vmem_shared>>
    tpu.wait_indirect_dma semaphore(%arg15 : memref<!tpu.dma_semaphore, #tpu.memory_space<semaphore_mem>>) src(%dma_wait3A_44 : memref<10240x32xf32, #tpu.memory_space<vmem_shared>>) dst(%arg10 : memref<128x32xf32, #tpu.memory_space<vmem>>)
    %dma_wait3A_45 = arith.constant 83 : i32
    %dma_wait3A_46 = arith.constant 0 : i32
    %dma_wait3A_47 = tpu.memref_slice %arg7[%dma_wait3A_45, %dma_wait3A_46] : memref<84x128xi32, #tpu.memory_space<vmem>> -> memref<1x128xi32, #tpu.memory_space<vmem>>
    %dma_wait3A_48 = tpu.memref_squeeze %dma_wait3A_47 : memref<1x128xi32, #tpu.memory_space<vmem>> -> memref<128xi32, #tpu.memory_space<vmem>>
    %dma_wait3A_49 = arith.constant 0 : i32
    %dma_wait3A_50 = arith.constant 0 : i32
    %dma_wait3A_51 = tpu.memref_slice %arg12[%dma_wait3A_49, %dma_wait3A_50] : memref<10240x32xf32, #tpu.memory_space<vmem_shared>> -> memref<10240x32xf32, #tpu.memory_space<vmem_shared>>
    tpu.wait_indirect_dma semaphore(%arg16 : memref<!tpu.dma_semaphore, #tpu.memory_space<semaphore_mem>>) src(%dma_wait3A_51 : memref<10240x32xf32, #tpu.memory_space<vmem_shared>>) dst(%arg11 : memref<128x32xf32, #tpu.memory_space<vmem>>)
    %barrier3A_52 = arith.constant 0 : index
    tpu.barrier barrier_id(%barrier3A_52)
    %mul3A_53 = arith.constant 640 : i32
    %mul3A_54 = arith.muli %arg1, %mul3A_53 : i32
    %mul3A_55 = arith.constant 640 : i32
    %mul3A_56 = arith.muli %arg1, %mul3A_55 : i32
    "tpu.region"() ({
      %run_scoped3A = tpu.sem_alloc : memref<!tpu.dma_semaphore, #tpu.memory_space<semaphore_mem>>
      %dma_start3A_57 = arith.constant 0 : i32
      %dma_start3A_58 = tpu.memref_slice %arg6[%arg0, %mul3A_56, %dma_start3A_57] : memref<2x10240x32xf32, #tpu.memory_space<hbm>> -> memref<1x640x32xf32, #tpu.memory_space<hbm>>
      %dma_start3A_59 = tpu.memref_squeeze %dma_start3A_58 : memref<1x640x32xf32, #tpu.memory_space<hbm>> -> memref<640x32xf32, #tpu.memory_space<hbm>>
      %dma_start3A_60 = arith.constant 0 : i32
      %dma_start3A_61 = tpu.memref_slice %arg13[%mul3A_54, %dma_start3A_60] : memref<10240x32xf32, #tpu.memory_space<vmem_shared>> -> memref<640x32xf32, #tpu.memory_space<vmem_shared>>
      tpu.enqueue_dma source(%dma_start3A_61 : memref<640x32xf32, #tpu.memory_space<vmem_shared>>) target(%dma_start3A_59 : memref<640x32xf32, #tpu.memory_space<hbm>>) target_semaphore(%run_scoped3A : memref<!tpu.dma_semaphore, #tpu.memory_space<semaphore_mem>>)
      %dma_wait3A_62 = arith.constant 0 : i32
      %dma_wait3A_63 = tpu.memref_slice %arg6[%arg0, %mul3A_56, %dma_wait3A_62] : memref<2x10240x32xf32, #tpu.memory_space<hbm>> -> memref<1x640x32xf32, #tpu.memory_space<hbm>>
      %dma_wait3A_64 = tpu.memref_squeeze %dma_wait3A_63 : memref<1x640x32xf32, #tpu.memory_space<hbm>> -> memref<640x32xf32, #tpu.memory_space<hbm>>
      %dma_wait3A_65 = arith.constant 0 : i32
      %dma_wait3A_66 = tpu.memref_slice %arg13[%mul3A_54, %dma_wait3A_65] : memref<10240x32xf32, #tpu.memory_space<vmem_shared>> -> memref<640x32xf32, #tpu.memory_space<vmem_shared>>
      tpu.wait_dma2 semaphore(%run_scoped3A : memref<!tpu.dma_semaphore, #tpu.memory_space<semaphore_mem>>) src(%dma_wait3A_66 : memref<640x32xf32, #tpu.memory_space<vmem_shared>>) dst(%dma_wait3A_64 : memref<640x32xf32, #tpu.memory_space<hbm>>)
      tpu.yield
    }) : () -> ()
    return
  }
}

module attributes {stable_mosaic.version = 14 : i64} {
  func.func @_mm_body(%arg0: i32, %arg1: memref<2x1280x8xf32, #tpu.memory_space<vmem>>, %arg2: memref<1280x128xf32, #tpu.memory_space<vmem>>, %arg3: memref<128x64xf32, #tpu.memory_space<vmem>>, %arg4: memref<1280x64xf32, #tpu.memory_space<vmem>>) attributes {dimension_semantics = [#tpu.dimension_semantics<arbitrary>], iteration_bounds = array<i64: 8>, scalar_prefetch = 0 : i64, scratch_operands = 0 : i64, tpu.core_type = #tpu.core_type<tc>, window_params = [{transform_indices = @transform_0, window_bounds = array<i64: 2, 1280, 8>}, {transform_indices = @transform_1, window_bounds = array<i64: 1280, 128>}, {pipeline_mode = #tpu.pipeline_mode<synchronous>, transform_indices = @transform_2, window_bounds = array<i64: 128, 64>}, {transform_indices = @transform_3, window_bounds = array<i64: 1280, 64>}]} {
    %get3A = arith.constant 0 : index
    %get3A_0 = arith.constant 0 : index
    %get3A_1 = arith.constant 0 : index
    %get3A_2 = vector.load %arg1[%get3A, %get3A_0, %get3A_1] : memref<2x1280x8xf32, #tpu.memory_space<vmem>>, vector<1x1280x1xf32>
    %get3A_3 = vector.shape_cast %get3A_2 : vector<1x1280x1xf32> to vector<1280x1xf32>
    %get3A_4 = arith.constant 1 : index
    %get3A_5 = arith.constant 0 : index
    %get3A_6 = arith.constant 0 : index
    %get3A_7 = vector.load %arg1[%get3A_4, %get3A_5, %get3A_6] : memref<2x1280x8xf32, #tpu.memory_space<vmem>>, vector<1x1280x1xf32>
    %get3A_8 = vector.shape_cast %get3A_7 : vector<1x1280x1xf32> to vector<1280x1xf32>
    %add3A = arith.addf %get3A_3, %get3A_8 : vector<1280x1xf32>
    %add3A_9 = arith.constant 1.000000e+00 : f32
    %add3A_10 = vector.broadcast %add3A_9 : f32 to vector<1280x1xf32>
    %add3A_11 = arith.addf %add3A, %add3A_10 : vector<1280x1xf32>
    %get3A_12 = arith.constant 0 : index
    %get3A_13 = arith.constant 0 : index
    %get3A_14 = vector.load %arg2[%get3A_12, %get3A_13] : memref<1280x128xf32, #tpu.memory_space<vmem>>, vector<1280x128xf32>
    %get3A_15 = arith.constant 0 : index
    %get3A_16 = arith.constant 0 : index
    %get3A_17 = vector.load %arg3[%get3A_15, %get3A_16] : memref<128x64xf32, #tpu.memory_space<vmem>>, vector<128x64xf32>
    %dot_general3A = arith.constant dense<0.000000e+00> : vector<1280x64xf32>
    %dot_general3A_18 = tpu.matmul %get3A_14, %get3A_17, %dot_general3A {dimension_numbers = #tpu.dot_dimension_numbers<[1], [0], [0], [1], [0, 0, 1, 1], [], []>, transpose_lhs_hint = false} : vector<1280x128xf32>, vector<128x64xf32>, vector<1280x64xf32> -> vector<1280x64xf32>
    %rsqrt3A = math.rsqrt %add3A_11 : vector<1280x1xf32>
    %mul3A = vector.broadcast %rsqrt3A : vector<1280x1xf32> to vector<1280x64xf32>
    %mul3A_19 = arith.mulf %dot_general3A_18, %mul3A : vector<1280x64xf32>
    %swap3A = arith.constant 0 : index
    %swap3A_20 = arith.constant 0 : index
    %swap3A_21 = vector.load %arg4[%swap3A, %swap3A_20] : memref<1280x64xf32, #tpu.memory_space<vmem>>, vector<1280x64xf32>
    tpu.vector_store %arg4[%swap3A, %swap3A_20], %mul3A_19 {strides = array<i32>} : memref<1280x64xf32, #tpu.memory_space<vmem>>, vector<1280x64xf32>,
    return
  }
  func.func @transform_0(%arg0: i32) -> (i32, i32, i32) {
    %c0_i32 = arith.constant 0 : i32
    %c0_i32_0 = arith.constant 0 : i32
    %c0_i32_1 = arith.constant 0 : i32
    return %c0_i32, %arg0, %c0_i32_0 : i32, i32, i32
  }
  func.func @transform_1(%arg0: i32) -> (i32, i32) {
    %c0_i32 = arith.constant 0 : i32
    %c0_i32_0 = arith.constant 0 : i32
    return %arg0, %c0_i32 : i32, i32
  }
  func.func @transform_2(%arg0: i32) -> (i32, i32) {
    %c0_i32 = arith.constant 0 : i32
    %c0_i32_0 = arith.constant 0 : i32
    %c0_i32_1 = arith.constant 0 : i32
    return %c0_i32, %c0_i32_0 : i32, i32
  }
  func.func @transform_3(%arg0: i32) -> (i32, i32) {
    %c0_i32 = arith.constant 0 : i32
    %c0_i32_0 = arith.constant 0 : i32
    return %arg0, %c0_i32 : i32, i32
  }
}

module attributes {stable_mosaic.version = 14 : i64} {
  func.func @_mid_body(%arg0: i32, %arg1: memref<2x1280x8xf32, #tpu.memory_space<vmem>>, %arg2: memref<1280x64xf32, #tpu.memory_space<vmem>>, %arg3: memref<2x1280x64xf32, #tpu.memory_space<vmem>>, %arg4: memref<1x64xf32, #tpu.memory_space<vmem>>, %arg5: memref<64x32xf32, #tpu.memory_space<vmem>>, %arg6: memref<1280x32xf32, #tpu.memory_space<vmem>>) attributes {dimension_semantics = [#tpu.dimension_semantics<arbitrary>], iteration_bounds = array<i64: 8>, scalar_prefetch = 0 : i64, scratch_operands = 0 : i64, tpu.core_type = #tpu.core_type<tc>, window_params = [{transform_indices = @transform_0, window_bounds = array<i64: 2, 1280, 8>}, {transform_indices = @transform_1, window_bounds = array<i64: 1280, 64>}, {transform_indices = @transform_2, window_bounds = array<i64: 2, 1280, 64>}, {pipeline_mode = #tpu.pipeline_mode<synchronous>, transform_indices = @transform_3, window_bounds = array<i64: 1, 64>}, {pipeline_mode = #tpu.pipeline_mode<synchronous>, transform_indices = @transform_4, window_bounds = array<i64: 64, 32>}, {transform_indices = @transform_5, window_bounds = array<i64: 1280, 32>}]} {
    %get3A = arith.constant 0 : index
    %get3A_0 = arith.constant 0 : index
    %get3A_1 = arith.constant 0 : index
    %get3A_2 = vector.load %arg1[%get3A, %get3A_0, %get3A_1] : memref<2x1280x8xf32, #tpu.memory_space<vmem>>, vector<1x1280x1xf32>
    %get3A_3 = vector.shape_cast %get3A_2 : vector<1x1280x1xf32> to vector<1280x1xf32>
    %get3A_4 = arith.constant 1 : index
    %get3A_5 = arith.constant 0 : index
    %get3A_6 = arith.constant 0 : index
    %get3A_7 = vector.load %arg1[%get3A_4, %get3A_5, %get3A_6] : memref<2x1280x8xf32, #tpu.memory_space<vmem>>, vector<1x1280x1xf32>
    %get3A_8 = vector.shape_cast %get3A_7 : vector<1x1280x1xf32> to vector<1280x1xf32>
    %add3A = arith.addf %get3A_3, %get3A_8 : vector<1280x1xf32>
    %add3A_9 = arith.constant 1.000000e+00 : f32
    %add3A_10 = vector.broadcast %add3A_9 : f32 to vector<1280x1xf32>
    %add3A_11 = arith.addf %add3A, %add3A_10 : vector<1280x1xf32>
    %rsqrt3A = math.rsqrt %add3A_11 : vector<1280x1xf32>
    %get3A_12 = arith.constant 0 : index
    %get3A_13 = arith.constant 0 : index
    %get3A_14 = vector.load %arg2[%get3A_12, %get3A_13] : memref<1280x64xf32, #tpu.memory_space<vmem>>, vector<1280x64xf32>
    %get3A_15 = arith.constant 0 : index
    %get3A_16 = arith.constant 0 : index
    %get3A_17 = arith.constant 0 : index
    %get3A_18 = vector.load %arg3[%get3A_15, %get3A_16, %get3A_17] : memref<2x1280x64xf32, #tpu.memory_space<vmem>>, vector<1x1280x64xf32>
    %get3A_19 = vector.shape_cast %get3A_18 : vector<1x1280x64xf32> to vector<1280x64xf32>
    %add3A_20 = arith.addf %get3A_14, %get3A_19 : vector<1280x64xf32>
    %get3A_21 = arith.constant 1 : index
    %get3A_22 = arith.constant 0 : index
    %get3A_23 = arith.constant 0 : index
    %get3A_24 = vector.load %arg3[%get3A_21, %get3A_22, %get3A_23] : memref<2x1280x64xf32, #tpu.memory_space<vmem>>, vector<1x1280x64xf32>
    %get3A_25 = vector.shape_cast %get3A_24 : vector<1x1280x64xf32> to vector<1280x64xf32>
    %add3A_26 = arith.addf %add3A_20, %get3A_25 : vector<1280x64xf32>
    %mul3A = vector.broadcast %rsqrt3A : vector<1280x1xf32> to vector<1280x64xf32>
    %mul3A_27 = arith.mulf %add3A_26, %mul3A : vector<1280x64xf32>
    %get3A_28 = arith.constant 0 : index
    %get3A_29 = arith.constant 0 : index
    %get3A_30 = vector.load %arg4[%get3A_28, %get3A_29] : memref<1x64xf32, #tpu.memory_space<vmem>>, vector<1x64xf32>
    %add3A_31 = vector.broadcast %get3A_30 : vector<1x64xf32> to vector<1280x64xf32>
    %add3A_32 = arith.addf %mul3A_27, %add3A_31 : vector<1280x64xf32>
    %max3A = arith.constant 0.000000e+00 : f32
    %max3A_33 = vector.broadcast %max3A : f32 to vector<1280x64xf32>
    %max3A_34 = arith.maximumf %add3A_32, %max3A_33 : vector<1280x64xf32>
    %get3A_35 = arith.constant 0 : index
    %get3A_36 = arith.constant 0 : index
    %get3A_37 = vector.load %arg5[%get3A_35, %get3A_36] : memref<64x32xf32, #tpu.memory_space<vmem>>, vector<64x32xf32>
    %dot_general3A = arith.constant dense<0.000000e+00> : vector<1280x32xf32>
    %dot_general3A_38 = tpu.matmul %max3A_34, %get3A_37, %dot_general3A {dimension_numbers = #tpu.dot_dimension_numbers<[1], [0], [0], [1], [0, 0, 1, 1], [], []>, transpose_lhs_hint = false} : vector<1280x64xf32>, vector<64x32xf32>, vector<1280x32xf32> -> vector<1280x32xf32>
    %mul3A_39 = vector.broadcast %rsqrt3A : vector<1280x1xf32> to vector<1280x32xf32>
    %mul3A_40 = arith.mulf %dot_general3A_38, %mul3A_39 : vector<1280x32xf32>
    %swap3A = arith.constant 0 : index
    %swap3A_41 = arith.constant 0 : index
    %swap3A_42 = vector.load %arg6[%swap3A, %swap3A_41] : memref<1280x32xf32, #tpu.memory_space<vmem>>, vector<1280x32xf32>
    tpu.vector_store %arg6[%swap3A, %swap3A_41], %mul3A_40 {strides = array<i32>} : memref<1280x32xf32, #tpu.memory_space<vmem>>, vector<1280x32xf32>,
    return
  }
  func.func @transform_0(%arg0: i32) -> (i32, i32, i32) {
    %c0_i32 = arith.constant 0 : i32
    %c0_i32_0 = arith.constant 0 : i32
    %c0_i32_1 = arith.constant 0 : i32
    return %c0_i32, %arg0, %c0_i32_0 : i32, i32, i32
  }
  func.func @transform_1(%arg0: i32) -> (i32, i32) {
    %c0_i32 = arith.constant 0 : i32
    %c0_i32_0 = arith.constant 0 : i32
    return %arg0, %c0_i32 : i32, i32
  }
  func.func @transform_2(%arg0: i32) -> (i32, i32, i32) {
    %c0_i32 = arith.constant 0 : i32
    %c0_i32_0 = arith.constant 0 : i32
    %c0_i32_1 = arith.constant 0 : i32
    return %c0_i32, %arg0, %c0_i32_0 : i32, i32, i32
  }
  func.func @transform_3(%arg0: i32) -> (i32, i32) {
    %c0_i32 = arith.constant 0 : i32
    %c0_i32_0 = arith.constant 0 : i32
    %c0_i32_1 = arith.constant 0 : i32
    return %c0_i32, %c0_i32_0 : i32, i32
  }
  func.func @transform_4(%arg0: i32) -> (i32, i32) {
    %c0_i32 = arith.constant 0 : i32
    %c0_i32_0 = arith.constant 0 : i32
    %c0_i32_1 = arith.constant 0 : i32
    return %c0_i32, %c0_i32_0 : i32, i32
  }
  func.func @transform_5(%arg0: i32) -> (i32, i32) {
    %c0_i32 = arith.constant 0 : i32
    %c0_i32_0 = arith.constant 0 : i32
    return %arg0, %c0_i32 : i32, i32
  }
}

module attributes {stable_mosaic.version = 14 : i64} {
  func.func @_fin_body(%arg0: i32, %arg1: memref<2x2000x8xf32, #tpu.memory_space<vmem>>, %arg2: memref<2000x32xf32, #tpu.memory_space<vmem>>, %arg3: memref<2x2000x32xf32, #tpu.memory_space<vmem>>, %arg4: memref<1x32xf32, #tpu.memory_space<vmem>>, %arg5: memref<2000x32xf32, #tpu.memory_space<vmem>>) attributes {dimension_semantics = [#tpu.dimension_semantics<arbitrary>], iteration_bounds = array<i64: 5>, scalar_prefetch = 0 : i64, scratch_operands = 0 : i64, tpu.core_type = #tpu.core_type<tc>, window_params = [{transform_indices = @transform_0, window_bounds = array<i64: 2, 2000, 8>}, {transform_indices = @transform_1, window_bounds = array<i64: 2000, 32>}, {transform_indices = @transform_2, window_bounds = array<i64: 2, 2000, 32>}, {pipeline_mode = #tpu.pipeline_mode<synchronous>, transform_indices = @transform_3, window_bounds = array<i64: 1, 32>}, {transform_indices = @transform_4, window_bounds = array<i64: 2000, 32>}]} {
    %get3A = arith.constant 0 : index
    %get3A_0 = arith.constant 0 : index
    %get3A_1 = arith.constant 0 : index
    %get3A_2 = vector.load %arg1[%get3A, %get3A_0, %get3A_1] : memref<2x2000x8xf32, #tpu.memory_space<vmem>>, vector<1x2000x1xf32>
    %get3A_3 = vector.shape_cast %get3A_2 : vector<1x2000x1xf32> to vector<2000x1xf32>
    %get3A_4 = arith.constant 1 : index
    %get3A_5 = arith.constant 0 : index
    %get3A_6 = arith.constant 0 : index
    %get3A_7 = vector.load %arg1[%get3A_4, %get3A_5, %get3A_6] : memref<2x2000x8xf32, #tpu.memory_space<vmem>>, vector<1x2000x1xf32>
    %get3A_8 = vector.shape_cast %get3A_7 : vector<1x2000x1xf32> to vector<2000x1xf32>
    %add3A = arith.addf %get3A_3, %get3A_8 : vector<2000x1xf32>
    %add3A_9 = arith.constant 1.000000e+00 : f32
    %add3A_10 = vector.broadcast %add3A_9 : f32 to vector<2000x1xf32>
    %add3A_11 = arith.addf %add3A, %add3A_10 : vector<2000x1xf32>
    %rsqrt3A = math.rsqrt %add3A_11 : vector<2000x1xf32>
    %get3A_12 = arith.constant 0 : index
    %get3A_13 = arith.constant 0 : index
    %get3A_14 = vector.load %arg2[%get3A_12, %get3A_13] : memref<2000x32xf32, #tpu.memory_space<vmem>>, vector<2000x32xf32>
    %get3A_15 = arith.constant 0 : index
    %get3A_16 = arith.constant 0 : index
    %get3A_17 = arith.constant 0 : index
    %get3A_18 = vector.load %arg3[%get3A_15, %get3A_16, %get3A_17] : memref<2x2000x32xf32, #tpu.memory_space<vmem>>, vector<1x2000x32xf32>
    %get3A_19 = vector.shape_cast %get3A_18 : vector<1x2000x32xf32> to vector<2000x32xf32>
    %add3A_20 = arith.addf %get3A_14, %get3A_19 : vector<2000x32xf32>
    %get3A_21 = arith.constant 1 : index
    %get3A_22 = arith.constant 0 : index
    %get3A_23 = arith.constant 0 : index
    %get3A_24 = vector.load %arg3[%get3A_21, %get3A_22, %get3A_23] : memref<2x2000x32xf32, #tpu.memory_space<vmem>>, vector<1x2000x32xf32>
    %get3A_25 = vector.shape_cast %get3A_24 : vector<1x2000x32xf32> to vector<2000x32xf32>
    %add3A_26 = arith.addf %add3A_20, %get3A_25 : vector<2000x32xf32>
    %mul3A = vector.broadcast %rsqrt3A : vector<2000x1xf32> to vector<2000x32xf32>
    %mul3A_27 = arith.mulf %add3A_26, %mul3A : vector<2000x32xf32>
    %get3A_28 = arith.constant 0 : index
    %get3A_29 = arith.constant 0 : index
    %get3A_30 = vector.load %arg4[%get3A_28, %get3A_29] : memref<1x32xf32, #tpu.memory_space<vmem>>, vector<1x32xf32>
    %add3A_31 = vector.broadcast %get3A_30 : vector<1x32xf32> to vector<2000x32xf32>
    %add3A_32 = arith.addf %mul3A_27, %add3A_31 : vector<2000x32xf32>
    %swap3A = arith.constant 0 : index
    %swap3A_33 = arith.constant 0 : index
    %swap3A_34 = vector.load %arg5[%swap3A, %swap3A_33] : memref<2000x32xf32, #tpu.memory_space<vmem>>, vector<2000x32xf32>
    tpu.vector_store %arg5[%swap3A, %swap3A_33], %add3A_32 {strides = array<i32>} : memref<2000x32xf32, #tpu.memory_space<vmem>>, vector<2000x32xf32>,
    return
  }
  func.func @transform_0(%arg0: i32) -> (i32, i32, i32) {
    %c0_i32 = arith.constant 0 : i32
    %c0_i32_0 = arith.constant 0 : i32
    %c0_i32_1 = arith.constant 0 : i32
    return %c0_i32, %arg0, %c0_i32_0 : i32, i32, i32
  }
  func.func @transform_1(%arg0: i32) -> (i32, i32) {
    %c0_i32 = arith.constant 0 : i32
    %c0_i32_0 = arith.constant 0 : i32
    return %arg0, %c0_i32 : i32, i32
  }
  func.func @transform_2(%arg0: i32) -> (i32, i32, i32) {
    %c0_i32 = arith.constant 0 : i32
    %c0_i32_0 = arith.constant 0 : i32
    %c0_i32_1 = arith.constant 0 : i32
    return %c0_i32, %arg0, %c0_i32_0 : i32, i32, i32
  }
  func.func @transform_3(%arg0: i32) -> (i32, i32) {
    %c0_i32 = arith.constant 0 : i32
    %c0_i32_0 = arith.constant 0 : i32
    %c0_i32_1 = arith.constant 0 : i32
    return %c0_i32, %c0_i32_0 : i32, i32
  }
  func.func @transform_4(%arg0: i32) -> (i32, i32) {
    %c0_i32 = arith.constant 0 : i32
    %c0_i32_0 = arith.constant 0 : i32
    return %arg0, %c0_i32 : i32, i32
  }
}

</mosaic_0001>

<sc_bundles>
// kernel: kernel.11.cloned.1.call-start
scs
__scs_entry_jumppad:
0x0: {  	(pc) =	sbr.rel $0x88, $3  }
0x1: {  	(tag) =	ssettag $0x0;
	lr =	simm.s32 $0x1  }
0x2: {  	[smem:$0x3F9B] =	sst lr;
	_ =	strace $0xD0000000  }
0x3: {  	_ = 	snop  }
0x4: {  	_ = 	snop  }
0x5: {  	_ = 	snop  }
0x6: {  	_ = 	snop  }
0x7: {  	_ = 	snop  }
__scs_overlays_trampoline_lowered:
0x8: {  	[smem:$0x3FAA] =	sst s0  }
0x9: {  	[smem:$0x3FAB] =	sst s1  }
0xa: {  	[smem:$0x3FAC] =	sst s2  }
0xb: {  	[smem:$0x3FAD] =	sst s3  }
0xc: {  	[smem:$0x3FAE] =	sst s4  }
0xd: {  	[smem:$0x3FAF] =	sst s5  }
0xe: {  	[smem:$0x3FB0] =	sst s6  }
0xf: {  	[smem:$0x3FB1] =	sst s7  }
0x10: {  	[smem:$0x3FB2] =	sst s8  }
0x11: {  	[smem:$0x3FB3] =	sst s9;
	s0 =	simm.s32 @!p0 $0x0  }
0x12: {  	s1 =	sld [smem:$0x3F99];
	s0 =	simm.s32 @p0 $0x1  }
0x13: {  	[smem:$0x3FB4] =	sst s0;
	s0 =	simm.s32 @!p1 $0x0  }
0x14: {  	s2 =	sld [smem:$0x3F98];
	s0 =	simm.s32 @p1 $0x1  }
0x15: {  	[smem:$0x3FB5] =	sst s0;
	s0 =	simm.s32 @!p2 $0x0  }
0x16: {  	s3 =	sld [smem:$0x3FDB];
	s0 =	simm.s32 @p2 $0x1  }
0x17: {  	s4 =	simm.s32 $0x1BF5;
	[smem:$0x3FB7] =	sst s0  }
0x18: {  	s0 =	sld [smem:$0x3F9A];
	_ =	swait.ge [sflag:s4], $0x0  }
0x19: {  	s7 =	sld [smem:$0x3F9B]  }
0x1a: {  	s8 =	sadd.s32 $0xFFFFE003, lr  }
0x1b: {  	s9 =	sadd.s32 $0xFFFFFEF7, lr;
	s5 =	simm.s32 $0xFFFFFFFF;
	p2 =	slt.u32 s8, $0xFFFFF086  }
0x1c: {  	p1 =	slt.u32 s9, $0xF7A;
	s5 =	simm.s32 @!p2 $0x0  }
0x1d: {  	s5 =	simm.s32 @p1 $0x1;
	p0 =	seq.s32 s7, s2  }
0x1e: {  	s7 =	smul.u32 @!p0 $0xF7A, s2;
	p2 =	seq.s32 @!p0 s5, $0x0  }
0x1f: {  	s9 =	smul.u32 $0xF7A, s1;
	s8 =	simm.s32 @!p0 $0x1BF5;
	p2 =	por !p2, p0  }
0x20: {  	[sflag:s8] =	ssyncset.s32 @!p0 $0xFFFFF086;
	s6 =	sadd.s32 @!p0 s3, s7;
	s7 =	simm.s32 @!p0 $0x108  }
0x21: {  	s3 =	sadd.s32 s3, s9;
	s6 =	sadd.s32 @!p0 $0x88, s6;
	s7 =	simm.s32 @p2 $0x1082  }
0x22: {  	[simem:s7], [sflag:s8] =	dma.local @!p0 [hbm:s6], $0xF7A  }
0x23: {  	s9 =	sor.u32 $0xD0000000, s2;
	s6 =	simm.s32 $0x108;
	_ =	swait.ge @!p0 [sflag:s8], $0x0  }
0x24: {  	s3 =	sadd.s32 $0x88, s3;
	s6 =	simm.s32 @!p1 $0x1082;
	[sflag:s4] =	ssyncset.s32 $0xFFFFF086  }
0x25: {  	[simem:s6], [sflag:s4] =	dma.local [hbm:s3], $0xF7A  }
0x26: {  	[smem:$0x3F9B] =	sst s1;
	(tag) =	ssettag s2;
	_ =	strace s9  }
0x27: {  	s1 =	sld [smem:$0x3FAB]  }
0x28: {  	s2 =	sld [smem:$0x3FAC]  }
0x29: {  	s4 =	sld [smem:$0x3FAE]  }
0x2a: {  	p0 =	seq.s32 s5, $0x0;
	s5 =	sld [smem:$0x3FAF]  }
0x2b: {  	s6 =	sld [smem:$0x3FB0]  }
0x2c: {  	s7 =	sld [smem:$0x3FB1]  }
0x2d: {  	s3 =	simm.s32 $0x108;
	s8 =	sld [smem:$0x3FB2]  }
0x2e: {  	s3 =	simm.s32 @!p0 $0x1082;
	s9 =	sld [smem:$0x3FB3]  }
0x2f: {  	lr =	sadd.s32 s0, s3;
	s0 =	sld [smem:$0x3FAA]  }
0x30: {  	s3 =	sld [smem:$0x3FAD]  }
0x31: {  	[smem:$0x3FB6] =	sst s10  }
0x32: {  	s10 =	sld [smem:$0x3FB4];
	_ =	sdelay $0x3  }
0x33: {  	p0 =	seq.s32 s10, $0x1;
	s10 =	sld [smem:$0x3FB6];
	_ =	sdelay $0x3  }
0x34: {  	[smem:$0x3FB6] =	sst s10  }
0x35: {  	s10 =	sld [smem:$0x3FB5];
	_ =	sdelay $0x3  }
0x36: {  	p1 =	seq.s32 s10, $0x1;
	s10 =	sld [smem:$0x3FB6];
	_ =	sdelay $0x3  }
0x37: {  	[smem:$0x3FB6] =	sst s10  }
0x38: {  	s10 =	sld [smem:$0x3FB7]  }
0x39: {  	_ = 	snop;
	(pc) =	sbr.ind lr, $3  }
0x3a: {  	_ = 	snop  }
0x3b: {  	_ = 	snop  }
0x3c: {  	p2 =	seq.s32 s10, $0x1;
	s10 =	sld [smem:$0x3FB6]  }
0x3d: {  	_ =	shalt  }
0x3e: {  	_ =	shalt  }
0x3f: {  	_ =	shalt  }
0x40: {  	_ =	shalt  }
0x41: {  	_ =	shalt  }
0x42: {  	_ =	shalt  }
0x43: {  	_ =	shalt  }
0x44: {  	_ =	shalt  }
0x45: {  	_ =	shalt  }
0x46: {  	_ =	shalt  }
0x47: {  	_ =	shalt  }
0x48: {  	_ =	shalt  }
0x49: {  	_ =	shalt  }
0x4a: {  	_ =	shalt  }
0x4b: {  	_ =	shalt  }
0x4c: {  	_ =	shalt  }
0x4d: {  	_ =	shalt  }
0x4e: {  	_ =	shalt  }
0x4f: {  	_ =	shalt  }
0x50: {  	_ =	shalt  }
0x51: {  	_ =	shalt  }
0x52: {  	_ =	shalt  }
0x53: {  	_ =	shalt  }
0x54: {  	_ =	shalt  }
0x55: {  	_ =	shalt  }
0x56: {  	_ =	shalt  }
0x57: {  	_ =	shalt  }
0x58: {  	_ =	shalt  }
0x59: {  	_ =	shalt  }
0x5a: {  	_ =	shalt  }
0x5b: {  	_ =	shalt  }
0x5c: {  	_ =	shalt  }
0x5d: {  	_ =	shalt  }
0x5e: {  	_ =	shalt  }
0x5f: {  	_ =	shalt  }
0x60: {  	_ =	shalt  }
0x61: {  	_ =	shalt  }
0x62: {  	_ =	shalt  }
0x63: {  	_ =	shalt  }
0x64: {  	_ =	shalt  }
0x65: {  	_ =	shalt  }
0x66: {  	_ =	shalt  }
0x67: {  	_ =	shalt  }
0x68: {  	_ =	shalt  }
0x69: {  	_ =	shalt  }
0x6a: {  	_ =	shalt  }
0x6b: {  	_ =	shalt  }
0x6c: {  	_ =	shalt  }
0x6d: {  	_ =	shalt  }
0x6e: {  	_ =	shalt  }
0x6f: {  	_ =	shalt  }
0x70: {  	_ =	shalt  }
0x71: {  	_ =	shalt  }
0x72: {  	_ =	shalt  }
0x73: {  	_ =	shalt  }
0x74: {  	_ =	shalt  }
0x75: {  	_ =	shalt  }
0x76: {  	_ =	shalt  }
0x77: {  	_ =	shalt  }
0x78: {  	_ =	shalt  }
0x79: {  	_ =	shalt  }
0x7a: {  	_ =	shalt  }
0x7b: {  	_ =	shalt  }
0x7c: {  	_ =	shalt  }
0x7d: {  	_ =	shalt  }
0x7e: {  	_ =	shalt  }
0x7f: {  	_ =	shalt  }
0x80: {  	_ =	shalt  }
0x81: {  	_ =	shalt  }
0x82: {  	_ =	shalt  }
0x83: {  	_ =	shalt  }
0x84: {  	_ =	shalt  }
0x85: {  	_ =	shalt  }
0x86: {  	_ =	shalt  }
0x87: {  	_ =	shalt  }
.Lfunc_end0:
.L_simem_size_0:
called_computation.1_lowered:
.L_overlay_start_0:
0x88: {  	s2 =	sld [smem:$0x3FD9]  }
0x89: {  	s3 =	sld [smem:$0x3FFE];
	_ =	sdelay $0x1  }
0x8a: {  	s1 =	srdreg.scid  }
0x8b: {  	s0 =	sand.u32 $0x1, s1  }
0x8c: {  	s17 =	sshll.u32 s0, $0xA;
	s2 =	sadd.s32 s3, s2  }
0x8d: {  	s2 =	sadd.s32 s2, s17  }
0x8e: {  	[smem:$0x3FC2] =	sst s2  }
0x8f: {  	_ = 	snop  }
0x90: {  	s2 =	sld [smem:$0x3FD0];
	(tm) =	ssettm $0x1  }
0x91: {  	s18 =	sld [smem:$0x3FFB];
	_ =	sdelay $0x3  }
0x92: {  	_ =	strace s18  }
0x93: {  	s3 =	sld [smem:$0x3FFC];
	_ =	sdelay $0x3  }
0x94: {  	_ =	strace s3  }
0x95: {  	s3 =	sld [smem:$0x3FFD];
	_ =	sdelay $0x3  }
0x96: {  	_ =	strace s3  }
0x97: {  	_ =	strace $0x8FFFFFFF  }
0x98: {  	s19 =	sld [smem:$0x3FDB];
	_ =	sdelay $0x1  }
0x99: {  	s4 =	simm.s32 $_scs_section_size  }
0x9a: {  	s5 =	simm.s32 $_size__tile_overlayer_lowered;
	s6 =	simm.s32 $_tile_overlayer_lowered  }
0x9b: {  	s22 =	simm.s32 $0x1BFF;
	s21 =	sshll.u32 s6, $0x1;
	s3 =	sadd.s32 s4, s19  }
0x9c: {  	s7 =	simm.s32 $0x0;
	s20 =	sshll.u32 s5, $0x1;
	s5 =	sadd.s32 s21, s3  }
0x9d: {  	[timem:s7], [sflag:s22] =	dma.local [hbm:s5], s20  }
0x9e: {  	_ =	swait.ge [sflag:s22], s20  }
0x9f: {  	s4 =	ssub.s32 $0x0, s20;
	[sflag:s22] =	ssyncset.done $0x0  }
0xa0: {  	[sflag:s22] =	ssyncadd.s32 s4;
	_ =	sdelay $0x1  }
0xa1: {  	s23 =	simm.s32 $0x1B8B  }
0xa2: {  	_ =	swait.ge [sflag:s23], $0x1  }
0xa3: {  	[sflag:s23] =	ssyncset.done $0x0  }
0xa4: {  	s25 =	simm.s32 $0x1B8E;
	s24 =	sld [smem:$0x3FFE];
	[sflag:s23] =	ssyncadd.s32 $0xFFFFFFFF  }
0xa5: {  	s26 =	simm.s32 $execute0_lowered;
	[smem:$0x3FD2] =	sst s25  }
0xa6: {  	s5 =	sshll.u32 s26, $0x1;
	_ =	strace $0x80000049;
	[dreg:$0x1] =	wrdreg $0xFFFFFFFF  }
0xa7: {  	s28 =	simm.s32 $_size_execute0_lowered;
	s3 =	sadd.s32 s3, s5;
	[dreg:$0x0] =	wrdreg $0x0  }
0xa8: {  	s5 =	sshll.u32 s28, $0x1;
	[dreg:$0x2] =	wrdreg s3  }
0xa9: {  	[dreg:$0x3] =	wrdreg s5  }
0xaa: {  	[dreg:$0x4] =	wrdreg $0xC0  }
0xab: {  	_ =	task [dreg:s7], $0x5FFFF  }
0xac: {  	[dreg:$0x1] =	wrdreg $0xFFFFFFFF  }
0xad: {  	[dreg:$0x0] =	wrdreg $0x60  }
0xae: {  	[dreg:$0x2] =	wrdreg s24  }
0xaf: {  	[dreg:$0x3] =	wrdreg s2  }
0xb0: {  	[dreg:$0x4] =	wrdreg $0xB4000  }
0xb1: {  	[dreg:$0x5] =	wrdreg $0x154000  }
0xb2: {  	[dreg:$0x6] =	wrdreg $0x9  }
0xb3: {  	_ =	task.clear_ibuf [dreg:s7], $0x7FFFF;
	_ =	strace $0x90000049  }
0xb4: {  	s29 =	simm.s32 $0x9;
	_ =	strace $0x8000004B  }
0xb5: {  	_ =	swait.ge [sflag:s29], $0x1  }
0xb6: {  	[sflag:s29] =	ssyncadd.s32 $0xFFFFFFFF  }
0xb7: {  	_ =	strace $0x9000004B  }
0xb8: {  	_ =	sfence  }
0xb9: {  	s30 =	sld [smem:$0x0];
	_ =	sdelay $0x2  }
0xba: {  	s31 =	sshll.u32 s1, $0xD;
	s1 =	sshrl.u32 s1, $0x2  }
0xbb: {  	s3 =	sand.u32 $0x4000, s31;
	s1 =	sadd.s32 s1, s30  }
0xbc: {  	s0 =	sor.u32 s3, s0;
	s1 =	sshll.u32 s1, $0x11  }
0xbd: {  	s0 =	sor.u32 s1, s0  }
0xbe: {  	s0 =	sadd.s32 $0x8F2B, s0  }
0xbf: {  	[sflag:s0] =	ssyncadd.remote.s32 $0x1  }
0xc0: {  	_ =	sfence.sel $0xFFFF  }
0xc1: {  	[dreg:$0x0] =	wrdreg $0xFFFFFFFF;
	(pc) =	sbr.abs _section_cstart, $3  }
0xc2: {  	[dreg:$0x1] =	wrdreg $0xFFFFFFFF  }
0xc3: {  	_ =	task.clear_ibuf [dreg:s7], $0x2FFFF;
	_ =	strace $0x9FFFFFFF  }
0xc4: {  	(tm) =	ssettm $0x7FFFFFFF  }
0xc5: {  	_ =	shalt  }
tec
execute0_lowered:
.L_overlay_start_1:
0x0: {  	(tag) =	ssettag $0x1  }
0x1: {  	s6 =	rddreg [dreg:$0x0]  }
0x2: {  	s1 =	rddreg [dreg:$0x1]  }
0x3: {  	s3 =	rddreg [dreg:$0x2]  }
0x4: {  	s4 =	rddreg [dreg:$0x3]  }
0x5: {  	s0 =	rddreg [dreg:$0x4]  }
0x6: {  	s5 =	simm.s32 $0x0;
	s2 =	stileid.u32;
	s7 =	srdreg.scid  }
0x7: {  	s15 =	simm.s32 $0x2A00;
	s16 =	simm.s32 $0x80;
	s17 =	simm.s32 $0x5400  }
0x8: {  	s18 =	simm.s32 $0x7400;
	s19 =	simm.s32 $0x100;
	s20 =	simm.s32 $0x9400  }
0x9: {  	s21 =	simm.s32 $0x1;
	s22 =	simm.s32 $0x2;
	s23 =	simm.s32 $0x3  }
0xa: {  	s24 =	simm.s32 $0x0;
	s8 =	smul.u32 $0xA000, s2;
	s7 =	sand.u32 $0x1, s7  }
0xb: {  	s9 =	sshll.u32 s2, $0x1;
	[smem:$0x7FF] =	sst s5;
	s31 =	sshll.u32 s2, $0x6  }
0xc: {  	s9 =	sor.u32 s7, s9;
	s10 =	smul.u32 $0xA0000, s7;
	_ =	strace $0x8000004A  }
0xd: {  	s7 =	ssub.s32 $0x2, s7;
	s11 =	sshrl.u32 s8, $0x3;
	s9 =	smul.u32 $0x540, s9  }
0xe: {  	s12 =	sshrl.u32 s7, $0x1;
	s13 =	sadd.s32 s8, s3;
	s14 =	sadd.s32 s8, s4  }
0xf: {  	s11 =	sadd.s32 s11, s6;
	s10 =	sadd.s32 s8, s10;
	s12 =	ssub.s32 s7, s12  }
0x10: {  	s7 =	sor.u32 $0x1C04, s31;
	s14 =	sshrl.u32 s14, $0x3;
	s10 =	sshrl.u32 s10, $0x3  }
0x11: {  	s9 =	sadd.s32 s9, s6;
	s10 =	sadd.s32 s10, s6;
	s6 =	sadd.s32 $0x16A00, s11  }
0x12: {  	s8 =	sadd.s32 $0xC200, s9;
	s9 =	sadd.s32 $0x1400, s9;
	s11 =	smax.u32 s12, $0x1  }
0x13: {  	s12 =	sshrl.u32 s13, $0x3;
	s13 =	simm.s32 $0x4;
	s10 =	sadd.s32 $0x2AA00, s10  }
.LBB2_1:
0x14: {  	[spmem:s12], [sflag:s7] =	dma.local [hbm:s6], $0x1400  }
0x15: {  	_ =	swait.ge [sflag:s13], $0x1400  }
0x16: {  	[sflag:s13] =	ssyncset.done $0x0  }
0x17: {  	[sflag:s13] =	ssyncadd.s32 $0xFFFFEC00  }
0x18: {  	[spmem:s14], [sflag:s7] =	dma.local [hbm:s1], $0x1400  }
0x19: {  	_ =	swait.ge [sflag:s13], $0x1400  }
0x1a: {  	[sflag:s13] =	ssyncset.done $0x0  }
0x1b: {  	[sflag:s13] =	ssyncadd.s32 $0xFFFFEC00  }
0x1c: {  	[tilespmem:s5], [sflag:$0x4] =	stream.linear.gather [hbm4b:s8+s5], $0x2A00, $0x38;
	[tilespmem:$0x1F400] =	vst v63  }
0x1d: {  	_ =	swait.ge [sflag:s13], $0x2A00  }
0x1e: {  	[sflag:s13] =	ssyncset.done $0x0  }
0x1f: {  	[sflag:s13] =	ssyncadd.s32 $0xFFFFD600  }
0x20: {  	[tilespmem:s15], [sflag:$0x4] =	stream.linear.gather [hbm4b:s9+s5], $0x2A00, $0x38;
	[tilespmem:$0x1F400] =	vst v63  }
0x21: {  	_ =	swait.ge [sflag:s13], $0x2A00  }
0x22: {  	[sflag:s13] =	ssyncset.done $0x0  }
0x23: {  	[sflag:s13] =	ssyncadd.s32 $0xFFFFD600  }
0x24: {  	[bflag:$0x0] =	sbarrier.arrive $0xFFFF  }
0x25: {  	[tilespmem:s17], [sflag:$0x1] =	stream.indirect.gather [spmem:s3], $0x40, s5, s16, $0xb8;
	[tilespmem:$0x1F400] =	vst v63  }
0x26: {  	_ = 	snop  }
0x27: {  	[tilespmem:s18], [sflag:$0x2] =	stream.indirect.gather [spmem:s3], $0x40, s16, s16, $0xb8;
	[tilespmem:$0x1F400] =	vst v63  }
0x28: {  	_ = 	snop  }
0x29: {  	[tilespmem:s20], [sflag:$0x3] =	stream.indirect.gather [spmem:s3], $0x40, s19, s16, $0xb8;
	[tilespmem:$0x1F400] =	vst v63  }
0x2a: {  	_ =	swait.ge [sflag:s21], $0x2000  }
0x2b: {  	[sflag:s21] =	ssyncset.done $0x0  }
0x2c: {  	s25 =	simm.s32 $0x2A00;
	[sflag:s21] =	ssyncadd.s32 $0xFFFFE000  }
0x2d: {  	[spmem:s4] =	stream.indirect.scatter.add.f32 [tilespmem:s17], [sflag:$0x4], $0x40, s25, s16, $0xb8;
	[tilespmem:$0x1F400] =	vst v63  }
0x2e: {  	_ =	swait.ge [sflag:s13], $0x2000  }
0x2f: {  	[sflag:s13] =	ssyncset.done $0x0  }
0x30: {  	s28 =	simm.s32 $0x180;
	[sflag:s13] =	ssyncadd.s32 $0xFFFFE000  }
0x31: {  	[tilespmem:s17], [sflag:$0x1] =	stream.indirect.gather [spmem:s3], $0x40, s28, s16, $0xb8;
	[tilespmem:$0x1F400] =	vst v63  }
0x32: {  	_ =	swait.ge [sflag:s22], $0x2000  }
0x33: {  	[sflag:s22] =	ssyncset.done $0x0  }
0x34: {  	s29 =	simm.s32 $0x2A80;
	[sflag:s22] =	ssyncadd.s32 $0xFFFFE000  }
0x35: {  	[spmem:s4] =	stream.indirect.scatter.add.f32 [tilespmem:s18], [sflag:$0x4], $0x40, s29, s16, $0xb8;
	[tilespmem:$0x1F400] =	vst v63  }
0x36: {  	_ =	swait.ge [sflag:s13], $0x2000  }
0x37: {  	[sflag:s13] =	ssyncset.done $0x0  }
0x38: {  	s30 =	simm.s32 $0x200;
	[sflag:s13] =	ssyncadd.s32 $0xFFFFE000  }
0x39: {  	[tilespmem:s18], [sflag:$0x2] =	stream.indirect.gather [spmem:s3], $0x40, s30, s16, $0xb8;
	[tilespmem:$0x1F400] =	vst v63  }
0x3a: {  	_ =	swait.ge [sflag:s23], $0x2000  }
0x3b: {  	[sflag:s23] =	ssyncset.done $0x0  }
0x3c: {  	s31 =	simm.s32 $0x2B00;
	[sflag:s23] =	ssyncadd.s32 $0xFFFFE000  }
0x3d: {  	[spmem:s4] =	stream.indirect.scatter.add.f32 [tilespmem:s20], [sflag:$0x4], $0x40, s31, s16, $0xb8;
	[tilespmem:$0x1F400] =	vst v63  }
0x3e: {  	_ =	swait.ge [sflag:s13], $0x2000  }
0x3f: {  	[sflag:s13] =	ssyncset.done $0x0  }
0x40: {  	s26 =	simm.s32 $0x280;
	s25 =	simm.s32 $0x600;
	[sflag:s13] =	ssyncadd.s32 $0xFFFFE000  }
.LBB2_2:
0x41: {  	[tilespmem:s20], [sflag:$0x3] =	stream.indirect.gather [spmem:s3], $0x40, s26, s16, $0xb8;
	[tilespmem:$0x1F400] =	vst v63  }
0x42: {  	s26 =	smov.u32 s25  }
0x43: {  	p0 =	sne.s32 s25, $0x9C00;
	s25 =	sadd.s32 $0x600, s25;
	_ =	swait.ge [sflag:s21], $0x2000  }
0x44: {  	s26 =	sshra.s32 s26, $0x2;
	[sflag:s21] =	ssyncset.done $0x0  }
0x45: {  	s28 =	sadd.s32 $0x2A00, s26;
	[sflag:s21] =	ssyncadd.s32 $0xFFFFE000  }
0x46: {  	[spmem:s4] =	stream.indirect.scatter.add.f32 [tilespmem:s17], [sflag:$0x4], $0x40, s28, s16, $0xb8;
	[tilespmem:$0x1F400] =	vst v63  }
0x47: {  	_ =	swait.ge [sflag:s13], $0x2000  }
0x48: {  	[sflag:s13] =	ssyncset.done $0x0  }
0x49: {  	s28 =	sadd.s32 $0x180, s26;
	[sflag:s13] =	ssyncadd.s32 $0xFFFFE000  }
0x4a: {  	[tilespmem:s17], [sflag:$0x1] =	stream.indirect.gather [spmem:s3], $0x40, s28, s16, $0xb8;
	[tilespmem:$0x1F400] =	vst v63  }
0x4b: {  	_ =	swait.ge [sflag:s22], $0x2000  }
0x4c: {  	[sflag:s22] =	ssyncset.done $0x0  }
0x4d: {  	s28 =	sadd.s32 $0x2A80, s26;
	[sflag:s22] =	ssyncadd.s32 $0xFFFFE000  }
0x4e: {  	[spmem:s4] =	stream.indirect.scatter.add.f32 [tilespmem:s18], [sflag:$0x4], $0x40, s28, s16, $0xb8;
	[tilespmem:$0x1F400] =	vst v63  }
0x4f: {  	_ =	swait.ge [sflag:s13], $0x2000  }
0x50: {  	[sflag:s13] =	ssyncset.done $0x0  }
0x51: {  	s28 =	sadd.s32 $0x200, s26;
	[sflag:s13] =	ssyncadd.s32 $0xFFFFE000  }
0x52: {  	[tilespmem:s18], [sflag:$0x2] =	stream.indirect.gather [spmem:s3], $0x40, s28, s16, $0xb8;
	[tilespmem:$0x1F400] =	vst v63  }
0x53: {  	_ =	swait.ge [sflag:s23], $0x2000  }
0x54: {  	[sflag:s23] =	ssyncset.done $0x0  }
.Ltmp0:
0x55: {  	s28 =	sadd.s32 $0x2B00, s26;
	[sflag:s23] =	ssyncadd.s32 $0xFFFFE000;
	(pc) =	sbr.rel @p0 .LBB2_2-.Ltmp0, $4  }
0x56: {  	[spmem:s4] =	stream.indirect.scatter.add.f32 [tilespmem:s20], [sflag:$0x4], $0x40, s28, s16, $0xb8;
	[tilespmem:$0x1F400] =	vst v63  }
0x57: {  	_ =	swait.ge [sflag:s13], $0x2000  }
0x58: {  	[sflag:s13] =	ssyncset.done $0x0  }
0x59: {  	s26 =	sadd.s32 $0x280, s26;
	[sflag:s13] =	ssyncadd.s32 $0xFFFFE000  }
0x5a: {  	[tilespmem:s20], [sflag:$0x3] =	stream.indirect.gather [spmem:s3], $0x40, s26, s16, $0xb8;
	[tilespmem:$0x1F400] =	vst v63  }
0x5b: {  	_ =	swait.ge [sflag:s21], $0x2000  }
0x5c: {  	[sflag:s21] =	ssyncset.done $0x0  }
0x5d: {  	[sflag:s21] =	ssyncadd.s32 $0xFFFFE000  }
0x5e: {  	_ =	swait.ge [sflag:s22], $0x2000  }
0x5f: {  	[sflag:s22] =	ssyncset.done $0x0  }
0x60: {  	[sflag:s22] =	ssyncadd.s32 $0xFFFFE000  }
0x61: {  	_ =	swait.ge [sflag:s23], $0x2000  }
0x62: {  	s24 =	sadd.s32 $0x1, s24;
	[sflag:s23] =	ssyncset.done $0x0  }
0x63: {  	p0 =	sne.s32 s24, s11;
	[sflag:s23] =	ssyncadd.s32 $0xFFFFE000  }
.Ltmp1:
0x64: {  	[bflag:$0x0] =	sbarrier.arrive $0xFFFF;
	(pc) =	sbr.rel @p0 .LBB2_1-.Ltmp1, $4  }
0x65: {  	[hbm:s10], [sflag:s7] =	dma.local [spmem:s14], $0x1400  }
0x66: {  	_ =	swait.ge [sflag:s13], $0x1400  }
0x67: {  	[sflag:s13] =	ssyncset.done $0x0  }
0x68: {  	[sflag:s13] =	ssyncadd.s32 $0xFFFFEC00  }
0x69: {  	_ =	sfence.sel $0x180000  }
0x6a: {  	[bflag:$0x0] =	sbarrier.arrive $0xFFFF  }
0x6b: {  	p0 =	sne.s32 s2, $0x0;
	_ =	strace $0x9000004A  }
0x6c: {  	s0 =	sadd.s32 @!p0 $0x100000, s0;
	[bflag:$0x2] =	sbarrier.arrive $0xFFFF  }
0x6d: {  	[sflag:s0] =	ssyncadd.tile.s32 @!p0 $0x1;
	_ =	shalt  }
.Lfunc_end2:
_tile_overlayer_lowered:
.L_overlay_start_2:
0x6e: {  	(tag) =	ssettag $0x2  }
0x6f: {  	s0 =	rddreg [dreg:$0x0];
	s2 =	stileid.u32  }
0x70: {  	s1 =	rddreg [dreg:$0x1];
	p0 =	sne.s32 s2, $0x0  }
0x71: {  	s3 =	rddreg [dreg:$0x2];
	[bflag:$0x3] =	sbarrier.arrive $0xFFFF;
	s2 =	simm.s32 @!p0 $0x1C04  }
0x72: {  	[timem:s3], [sflag:s2] =	dma.local @!p0 [hbm:s0], s1  }
0x73: {  	s0 =	simm.s32 @!p0 $0x4  }
0x74: {  	_ =	swait.ge @!p0 [sflag:s0], s1  }
0x75: {  	s1 =	ssub.s32 @!p0 $0x0, s1;
	[sflag:s0] =	ssyncset.done @!p0 $0x0  }
0x76: {  	[sflag:s0] =	ssyncadd.s32 @!p0 s1  }
0x77: {  	[bflag:$0x3] =	sbarrier.arrive $0xFFFF  }
0x78: {  	_ =	shalt  }

// kernel: kernel.14.cloned.1.call-start
scs
__scs_entry_jumppad:
0x0: {  	(pc) =	sbr.rel $0x88, $3  }
0x1: {  	(tag) =	ssettag $0x0;
	lr =	simm.s32 $0x1  }
0x2: {  	[smem:$0x3F9B] =	sst lr;
	_ =	strace $0xD0000000  }
0x3: {  	_ = 	snop  }
0x4: {  	_ = 	snop  }
0x5: {  	_ = 	snop  }
0x6: {  	_ = 	snop  }
0x7: {  	_ = 	snop  }
__scs_overlays_trampoline_lowered:
0x8: {  	[smem:$0x3FAA] =	sst s0  }
0x9: {  	[smem:$0x3FAB] =	sst s1  }
0xa: {  	[smem:$0x3FAC] =	sst s2  }
0xb: {  	[smem:$0x3FAD] =	sst s3  }
0xc: {  	[smem:$0x3FAE] =	sst s4  }
0xd: {  	[smem:$0x3FAF] =	sst s5  }
0xe: {  	[smem:$0x3FB0] =	sst s6  }
0xf: {  	[smem:$0x3FB1] =	sst s7  }
0x10: {  	[smem:$0x3FB2] =	sst s8  }
0x11: {  	[smem:$0x3FB3] =	sst s9;
	s0 =	simm.s32 @!p0 $0x0  }
0x12: {  	s1 =	sld [smem:$0x3F99];
	s0 =	simm.s32 @p0 $0x1  }
0x13: {  	[smem:$0x3FB4] =	sst s0;
	s0 =	simm.s32 @!p1 $0x0  }
0x14: {  	s2 =	sld [smem:$0x3F98];
	s0 =	simm.s32 @p1 $0x1  }
0x15: {  	[smem:$0x3FB5] =	sst s0;
	s0 =	simm.s32 @!p2 $0x0  }
0x16: {  	s3 =	sld [smem:$0x3FDB];
	s0 =	simm.s32 @p2 $0x1  }
0x17: {  	s4 =	simm.s32 $0x1BF5;
	[smem:$0x3FB7] =	sst s0  }
0x18: {  	s0 =	sld [smem:$0x3F9A];
	_ =	swait.ge [sflag:s4], $0x0  }
0x19: {  	s7 =	sld [smem:$0x3F9B]  }
0x1a: {  	s8 =	sadd.s32 $0xFFFFE003, lr  }
0x1b: {  	s9 =	sadd.s32 $0xFFFFFEF7, lr;
	s5 =	simm.s32 $0xFFFFFFFF;
	p2 =	slt.u32 s8, $0xFFFFF086  }
0x1c: {  	p1 =	slt.u32 s9, $0xF7A;
	s5 =	simm.s32 @!p2 $0x0  }
0x1d: {  	s5 =	simm.s32 @p1 $0x1;
	p0 =	seq.s32 s7, s2  }
0x1e: {  	s7 =	smul.u32 @!p0 $0xF7A, s2;
	p2 =	seq.s32 @!p0 s5, $0x0  }
0x1f: {  	s9 =	smul.u32 $0xF7A, s1;
	s8 =	simm.s32 @!p0 $0x1BF5;
	p2 =	por !p2, p0  }
0x20: {  	[sflag:s8] =	ssyncset.s32 @!p0 $0xFFFFF086;
	s6 =	sadd.s32 @!p0 s3, s7;
	s7 =	simm.s32 @!p0 $0x108  }
0x21: {  	s3 =	sadd.s32 s3, s9;
	s6 =	sadd.s32 @!p0 $0x88, s6;
	s7 =	simm.s32 @p2 $0x1082  }
0x22: {  	[simem:s7], [sflag:s8] =	dma.local @!p0 [hbm:s6], $0xF7A  }
0x23: {  	s9 =	sor.u32 $0xD0000000, s2;
	s6 =	simm.s32 $0x108;
	_ =	swait.ge @!p0 [sflag:s8], $0x0  }
0x24: {  	s3 =	sadd.s32 $0x88, s3;
	s6 =	simm.s32 @!p1 $0x1082;
	[sflag:s4] =	ssyncset.s32 $0xFFFFF086  }
0x25: {  	[simem:s6], [sflag:s4] =	dma.local [hbm:s3], $0xF7A  }
0x26: {  	[smem:$0x3F9B] =	sst s1;
	(tag) =	ssettag s2;
	_ =	strace s9  }
0x27: {  	s1 =	sld [smem:$0x3FAB]  }
0x28: {  	s2 =	sld [smem:$0x3FAC]  }
0x29: {  	s4 =	sld [smem:$0x3FAE]  }
0x2a: {  	p0 =	seq.s32 s5, $0x0;
	s5 =	sld [smem:$0x3FAF]  }
0x2b: {  	s6 =	sld [smem:$0x3FB0]  }
0x2c: {  	s7 =	sld [smem:$0x3FB1]  }
0x2d: {  	s3 =	simm.s32 $0x108;
	s8 =	sld [smem:$0x3FB2]  }
0x2e: {  	s3 =	simm.s32 @!p0 $0x1082;
	s9 =	sld [smem:$0x3FB3]  }
0x2f: {  	lr =	sadd.s32 s0, s3;
	s0 =	sld [smem:$0x3FAA]  }
0x30: {  	s3 =	sld [smem:$0x3FAD]  }
0x31: {  	[smem:$0x3FB6] =	sst s10  }
0x32: {  	s10 =	sld [smem:$0x3FB4];
	_ =	sdelay $0x3  }
0x33: {  	p0 =	seq.s32 s10, $0x1;
	s10 =	sld [smem:$0x3FB6];
	_ =	sdelay $0x3  }
0x34: {  	[smem:$0x3FB6] =	sst s10  }
0x35: {  	s10 =	sld [smem:$0x3FB5];
	_ =	sdelay $0x3  }
0x36: {  	p1 =	seq.s32 s10, $0x1;
	s10 =	sld [smem:$0x3FB6];
	_ =	sdelay $0x3  }
0x37: {  	[smem:$0x3FB6] =	sst s10  }
0x38: {  	s10 =	sld [smem:$0x3FB7]  }
0x39: {  	_ = 	snop;
	(pc) =	sbr.ind lr, $3  }
0x3a: {  	_ = 	snop  }
0x3b: {  	_ = 	snop  }
0x3c: {  	p2 =	seq.s32 s10, $0x1;
	s10 =	sld [smem:$0x3FB6]  }
0x3d: {  	_ =	shalt  }
0x3e: {  	_ =	shalt  }
0x3f: {  	_ =	shalt  }
0x40: {  	_ =	shalt  }
0x41: {  	_ =	shalt  }
0x42: {  	_ =	shalt  }
0x43: {  	_ =	shalt  }
0x44: {  	_ =	shalt  }
0x45: {  	_ =	shalt  }
0x46: {  	_ =	shalt  }
0x47: {  	_ =	shalt  }
0x48: {  	_ =	shalt  }
0x49: {  	_ =	shalt  }
0x4a: {  	_ =	shalt  }
0x4b: {  	_ =	shalt  }
0x4c: {  	_ =	shalt  }
0x4d: {  	_ =	shalt  }
0x4e: {  	_ =	shalt  }
0x4f: {  	_ =	shalt  }
0x50: {  	_ =	shalt  }
0x51: {  	_ =	shalt  }
0x52: {  	_ =	shalt  }
0x53: {  	_ =	shalt  }
0x54: {  	_ =	shalt  }
0x55: {  	_ =	shalt  }
0x56: {  	_ =	shalt  }
0x57: {  	_ =	shalt  }
0x58: {  	_ =	shalt  }
0x59: {  	_ =	shalt  }
0x5a: {  	_ =	shalt  }
0x5b: {  	_ =	shalt  }
0x5c: {  	_ =	shalt  }
0x5d: {  	_ =	shalt  }
0x5e: {  	_ =	shalt  }
0x5f: {  	_ =	shalt  }
0x60: {  	_ =	shalt  }
0x61: {  	_ =	shalt  }
0x62: {  	_ =	shalt  }
0x63: {  	_ =	shalt  }
0x64: {  	_ =	shalt  }
0x65: {  	_ =	shalt  }
0x66: {  	_ =	shalt  }
0x67: {  	_ =	shalt  }
0x68: {  	_ =	shalt  }
0x69: {  	_ =	shalt  }
0x6a: {  	_ =	shalt  }
0x6b: {  	_ =	shalt  }
0x6c: {  	_ =	shalt  }
0x6d: {  	_ =	shalt  }
0x6e: {  	_ =	shalt  }
0x6f: {  	_ =	shalt  }
0x70: {  	_ =	shalt  }
0x71: {  	_ =	shalt  }
0x72: {  	_ =	shalt  }
0x73: {  	_ =	shalt  }
0x74: {  	_ =	shalt  }
0x75: {  	_ =	shalt  }
0x76: {  	_ =	shalt  }
0x77: {  	_ =	shalt  }
0x78: {  	_ =	shalt  }
0x79: {  	_ =	shalt  }
0x7a: {  	_ =	shalt  }
0x7b: {  	_ =	shalt  }
0x7c: {  	_ =	shalt  }
0x7d: {  	_ =	shalt  }
0x7e: {  	_ =	shalt  }
0x7f: {  	_ =	shalt  }
0x80: {  	_ =	shalt  }
0x81: {  	_ =	shalt  }
0x82: {  	_ =	shalt  }
0x83: {  	_ =	shalt  }
0x84: {  	_ =	shalt  }
0x85: {  	_ =	shalt  }
0x86: {  	_ =	shalt  }
0x87: {  	_ =	shalt  }
.Lfunc_end0:
.L_simem_size_0:
called_computation.2_lowered:
.L_overlay_start_0:
0x88: {  	s2 =	sld [smem:$0x3FD9]  }
0x89: {  	s3 =	sld [smem:$0x3FFE];
	_ =	sdelay $0x1  }
0x8a: {  	s1 =	srdreg.scid  }
0x8b: {  	s0 =	sand.u32 $0x1, s1  }
0x8c: {  	s17 =	sshll.u32 s0, $0xA;
	s2 =	sadd.s32 s3, s2  }
0x8d: {  	s2 =	sadd.s32 s2, s17  }
0x8e: {  	[smem:$0x3FC2] =	sst s2  }
0x8f: {  	_ = 	snop  }
0x90: {  	s2 =	sld [smem:$0x3FD0];
	(tm) =	ssettm $0x1  }
0x91: {  	s18 =	sld [smem:$0x3FFB];
	_ =	sdelay $0x3  }
0x92: {  	_ =	strace s18  }
0x93: {  	s3 =	sld [smem:$0x3FFC];
	_ =	sdelay $0x3  }
0x94: {  	_ =	strace s3  }
0x95: {  	s3 =	sld [smem:$0x3FFD];
	_ =	sdelay $0x3  }
0x96: {  	_ =	strace s3  }
0x97: {  	_ =	strace $0x8FFFFFFF  }
0x98: {  	s19 =	sld [smem:$0x3FDB];
	_ =	sdelay $0x1  }
0x99: {  	s4 =	simm.s32 $_scs_section_size  }
0x9a: {  	s5 =	simm.s32 $_size__tile_overlayer_lowered;
	s6 =	simm.s32 $_tile_overlayer_lowered  }
0x9b: {  	s22 =	simm.s32 $0x1BFF;
	s21 =	sshll.u32 s6, $0x1;
	s3 =	sadd.s32 s4, s19  }
0x9c: {  	s7 =	simm.s32 $0x0;
	s20 =	sshll.u32 s5, $0x1;
	s5 =	sadd.s32 s21, s3  }
0x9d: {  	[timem:s7], [sflag:s22] =	dma.local [hbm:s5], s20  }
0x9e: {  	_ =	swait.ge [sflag:s22], s20  }
0x9f: {  	s4 =	ssub.s32 $0x0, s20;
	[sflag:s22] =	ssyncset.done $0x0  }
0xa0: {  	[sflag:s22] =	ssyncadd.s32 s4;
	_ =	sdelay $0x1  }
0xa1: {  	s23 =	simm.s32 $0x1B8B  }
0xa2: {  	_ =	swait.ge [sflag:s23], $0x1  }
0xa3: {  	[sflag:s23] =	ssyncset.done $0x0  }
0xa4: {  	s25 =	simm.s32 $0x1B8E;
	s24 =	sld [smem:$0x3FFE];
	[sflag:s23] =	ssyncadd.s32 $0xFFFFFFFF  }
0xa5: {  	s26 =	simm.s32 $execute0_lowered;
	[smem:$0x3FD2] =	sst s25  }
0xa6: {  	s5 =	sshll.u32 s26, $0x1;
	_ =	strace $0x8000004C;
	[dreg:$0x1] =	wrdreg $0xFFFFFFFF  }
0xa7: {  	s28 =	simm.s32 $_size_execute0_lowered;
	s3 =	sadd.s32 s3, s5;
	[dreg:$0x0] =	wrdreg $0x0  }
0xa8: {  	s5 =	sshll.u32 s28, $0x1;
	[dreg:$0x2] =	wrdreg s3  }
0xa9: {  	[dreg:$0x3] =	wrdreg s5  }
0xaa: {  	[dreg:$0x4] =	wrdreg $0xC0  }
0xab: {  	_ =	task [dreg:s7], $0x5FFFF  }
0xac: {  	[dreg:$0x1] =	wrdreg $0xFFFFFFFF  }
0xad: {  	[dreg:$0x0] =	wrdreg $0x60  }
0xae: {  	[dreg:$0x2] =	wrdreg s24  }
0xaf: {  	[dreg:$0x3] =	wrdreg s2  }
0xb0: {  	[dreg:$0x4] =	wrdreg $0x84000  }
0xb1: {  	[dreg:$0x5] =	wrdreg $0xD4000  }
0xb2: {  	[dreg:$0x6] =	wrdreg $0x9  }
0xb3: {  	_ =	task.clear_ibuf [dreg:s7], $0x7FFFF;
	_ =	strace $0x9000004C  }
0xb4: {  	s29 =	simm.s32 $0x9;
	_ =	strace $0x8000004E  }
0xb5: {  	_ =	swait.ge [sflag:s29], $0x1  }
0xb6: {  	[sflag:s29] =	ssyncadd.s32 $0xFFFFFFFF  }
0xb7: {  	_ =	strace $0x9000004E  }
0xb8: {  	_ =	sfence  }
0xb9: {  	s30 =	sld [smem:$0x0];
	_ =	sdelay $0x2  }
0xba: {  	s31 =	sshll.u32 s1, $0xD;
	s1 =	sshrl.u32 s1, $0x2  }
0xbb: {  	s3 =	sand.u32 $0x4000, s31;
	s1 =	sadd.s32 s1, s30  }
0xbc: {  	s0 =	sor.u32 s3, s0;
	s1 =	sshll.u32 s1, $0x11  }
0xbd: {  	s0 =	sor.u32 s1, s0  }
0xbe: {  	s0 =	sadd.s32 $0x8F2B, s0  }
0xbf: {  	[sflag:s0] =	ssyncadd.remote.s32 $0x1  }
0xc0: {  	_ =	sfence.sel $0xFFFF  }
0xc1: {  	[dreg:$0x0] =	wrdreg $0xFFFFFFFF;
	(pc) =	sbr.abs _section_cstart, $3  }
0xc2: {  	[dreg:$0x1] =	wrdreg $0xFFFFFFFF  }
0xc3: {  	_ =	task.clear_ibuf [dreg:s7], $0x2FFFF;
	_ =	strace $0x9FFFFFFF  }
0xc4: {  	(tm) =	ssettm $0x7FFFFFFF  }
0xc5: {  	_ =	shalt  }
tec
execute0_lowered:
.L_overlay_start_1:
0x0: {  	(tag) =	ssettag $0x1  }
0x1: {  	s6 =	rddreg [dreg:$0x0]  }
0x2: {  	s1 =	rddreg [dreg:$0x1]  }
0x3: {  	s3 =	rddreg [dreg:$0x2]  }
0x4: {  	s4 =	rddreg [dreg:$0x3]  }
0x5: {  	s0 =	rddreg [dreg:$0x4]  }
0x6: {  	s5 =	simm.s32 $0x0;
	s2 =	stileid.u32;
	s7 =	srdreg.scid  }
0x7: {  	s15 =	simm.s32 $0x2A00;
	s16 =	simm.s32 $0x80;
	s17 =	simm.s32 $0x5400  }
0x8: {  	s18 =	simm.s32 $0x6400;
	s19 =	simm.s32 $0x100;
	s20 =	simm.s32 $0x7400  }
0x9: {  	s21 =	simm.s32 $0x1;
	s22 =	simm.s32 $0x2;
	s23 =	simm.s32 $0x3  }
0xa: {  	s24 =	simm.s32 $0x0;
	s8 =	smul.u32 $0x5000, s2;
	s7 =	sand.u32 $0x1, s7  }
0xb: {  	s9 =	sshll.u32 s2, $0x1;
	[smem:$0x7FF] =	sst s5;
	s31 =	sshll.u32 s2, $0x6  }
0xc: {  	s9 =	sor.u32 s7, s9;
	s10 =	smul.u32 $0x50000, s7;
	_ =	strace $0x8000004D  }
0xd: {  	s7 =	ssub.s32 $0x2, s7;
	s11 =	sshrl.u32 s8, $0x3;
	s9 =	smul.u32 $0x540, s9  }
0xe: {  	s12 =	sshrl.u32 s7, $0x1;
	s13 =	sadd.s32 s8, s3;
	s14 =	sadd.s32 s8, s4  }
0xf: {  	s11 =	sadd.s32 s11, s6;
	s10 =	sadd.s32 s8, s10;
	s12 =	ssub.s32 s7, s12  }
0x10: {  	s7 =	sor.u32 $0x1C04, s31;
	s14 =	sshrl.u32 s14, $0x3;
	s10 =	sshrl.u32 s10, $0x3  }
0x11: {  	s9 =	sadd.s32 s9, s6;
	s10 =	sadd.s32 s10, s6;
	s6 =	sadd.s32 $0x16A00, s11  }
0x12: {  	s8 =	sadd.s32 $0xC200, s9;
	s9 =	sadd.s32 $0x1400, s9;
	s11 =	smax.u32 s12, $0x1  }
0x13: {  	s12 =	sshrl.u32 s13, $0x3;
	s13 =	simm.s32 $0x4;
	s10 =	sadd.s32 $0x20A00, s10  }
.LBB2_1:
0x14: {  	[spmem:s12], [sflag:s7] =	dma.local [hbm:s6], $0xA00  }
0x15: {  	_ =	swait.ge [sflag:s13], $0xA00  }
0x16: {  	[sflag:s13] =	ssyncset.done $0x0  }
0x17: {  	[sflag:s13] =	ssyncadd.s32 $0xFFFFF600  }
0x18: {  	[spmem:s14], [sflag:s7] =	dma.local [hbm:s1], $0xA00  }
0x19: {  	_ =	swait.ge [sflag:s13], $0xA00  }
0x1a: {  	[sflag:s13] =	ssyncset.done $0x0  }
0x1b: {  	[sflag:s13] =	ssyncadd.s32 $0xFFFFF600  }
0x1c: {  	[tilespmem:s5], [sflag:$0x4] =	stream.linear.gather [hbm4b:s8+s5], $0x2A00, $0x38;
	[tilespmem:$0x12400] =	vst v63  }
0x1d: {  	_ =	swait.ge [sflag:s13], $0x2A00  }
0x1e: {  	[sflag:s13] =	ssyncset.done $0x0  }
0x1f: {  	[sflag:s13] =	ssyncadd.s32 $0xFFFFD600  }
0x20: {  	[tilespmem:s15], [sflag:$0x4] =	stream.linear.gather [hbm4b:s9+s5], $0x2A00, $0x38;
	[tilespmem:$0x12400] =	vst v63  }
0x21: {  	_ =	swait.ge [sflag:s13], $0x2A00  }
0x22: {  	[sflag:s13] =	ssyncset.done $0x0  }
0x23: {  	[sflag:s13] =	ssyncadd.s32 $0xFFFFD600  }
0x24: {  	[bflag:$0x0] =	sbarrier.arrive $0xFFFF  }
0x25: {  	[tilespmem:s17], [sflag:$0x1] =	stream.indirect.gather [spmem:s3], $0x20, s5, s16, $0xb8;
	[tilespmem:$0x12400] =	vst v63  }
0x26: {  	_ = 	snop  }
0x27: {  	[tilespmem:s18], [sflag:$0x2] =	stream.indirect.gather [spmem:s3], $0x20, s16, s16, $0xb8;
	[tilespmem:$0x12400] =	vst v63  }
0x28: {  	_ = 	snop  }
0x29: {  	[tilespmem:s20], [sflag:$0x3] =	stream.indirect.gather [spmem:s3], $0x20, s19, s16, $0xb8;
	[tilespmem:$0x12400] =	vst v63  }
0x2a: {  	_ =	swait.ge [sflag:s21], $0x1000  }
0x2b: {  	[sflag:s21] =	ssyncset.done $0x0  }
0x2c: {  	s25 =	simm.s32 $0x2A00;
	[sflag:s21] =	ssyncadd.s32 $0xFFFFF000  }
0x2d: {  	[spmem:s4] =	stream.indirect.scatter.add.f32 [tilespmem:s17], [sflag:$0x4], $0x20, s25, s16, $0xb8;
	[tilespmem:$0x12400] =	vst v63  }
0x2e: {  	_ =	swait.ge [sflag:s13], $0x1000  }
0x2f: {  	[sflag:s13] =	ssyncset.done $0x0  }
0x30: {  	s28 =	simm.s32 $0x180;
	[sflag:s13] =	ssyncadd.s32 $0xFFFFF000  }
0x31: {  	[tilespmem:s17], [sflag:$0x1] =	stream.indirect.gather [spmem:s3], $0x20, s28, s16, $0xb8;
	[tilespmem:$0x12400] =	vst v63  }
0x32: {  	_ =	swait.ge [sflag:s22], $0x1000  }
0x33: {  	[sflag:s22] =	ssyncset.done $0x0  }
0x34: {  	s29 =	simm.s32 $0x2A80;
	[sflag:s22] =	ssyncadd.s32 $0xFFFFF000  }
0x35: {  	[spmem:s4] =	stream.indirect.scatter.add.f32 [tilespmem:s18], [sflag:$0x4], $0x20, s29, s16, $0xb8;
	[tilespmem:$0x12400] =	vst v63  }
0x36: {  	_ =	swait.ge [sflag:s13], $0x1000  }
0x37: {  	[sflag:s13] =	ssyncset.done $0x0  }
0x38: {  	s30 =	simm.s32 $0x200;
	[sflag:s13] =	ssyncadd.s32 $0xFFFFF000  }
0x39: {  	[tilespmem:s18], [sflag:$0x2] =	stream.indirect.gather [spmem:s3], $0x20, s30, s16, $0xb8;
	[tilespmem:$0x12400] =	vst v63  }
0x3a: {  	_ =	swait.ge [sflag:s23], $0x1000  }
0x3b: {  	[sflag:s23] =	ssyncset.done $0x0  }
0x3c: {  	s31 =	simm.s32 $0x2B00;
	[sflag:s23] =	ssyncadd.s32 $0xFFFFF000  }
0x3d: {  	[spmem:s4] =	stream.indirect.scatter.add.f32 [tilespmem:s20], [sflag:$0x4], $0x20, s31, s16, $0xb8;
	[tilespmem:$0x12400] =	vst v63  }
0x3e: {  	_ =	swait.ge [sflag:s13], $0x1000  }
0x3f: {  	[sflag:s13] =	ssyncset.done $0x0  }
0x40: {  	s26 =	simm.s32 $0x280;
	s25 =	simm.s32 $0x600;
	[sflag:s13] =	ssyncadd.s32 $0xFFFFF000  }
.LBB2_2:
0x41: {  	[tilespmem:s20], [sflag:$0x3] =	stream.indirect.gather [spmem:s3], $0x20, s26, s16, $0xb8;
	[tilespmem:$0x12400] =	vst v63  }
0x42: {  	s26 =	smov.u32 s25  }
0x43: {  	p0 =	sne.s32 s25, $0x9C00;
	s25 =	sadd.s32 $0x600, s25;
	_ =	swait.ge [sflag:s21], $0x1000  }
0x44: {  	s26 =	sshra.s32 s26, $0x2;
	[sflag:s21] =	ssyncset.done $0x0  }
0x45: {  	s28 =	sadd.s32 $0x2A00, s26;
	[sflag:s21] =	ssyncadd.s32 $0xFFFFF000  }
0x46: {  	[spmem:s4] =	stream.indirect.scatter.add.f32 [tilespmem:s17], [sflag:$0x4], $0x20, s28, s16, $0xb8;
	[tilespmem:$0x12400] =	vst v63  }
0x47: {  	_ =	swait.ge [sflag:s13], $0x1000  }
0x48: {  	[sflag:s13] =	ssyncset.done $0x0  }
0x49: {  	s28 =	sadd.s32 $0x180, s26;
	[sflag:s13] =	ssyncadd.s32 $0xFFFFF000  }
0x4a: {  	[tilespmem:s17], [sflag:$0x1] =	stream.indirect.gather [spmem:s3], $0x20, s28, s16, $0xb8;
	[tilespmem:$0x12400] =	vst v63  }
0x4b: {  	_ =	swait.ge [sflag:s22], $0x1000  }
0x4c: {  	[sflag:s22] =	ssyncset.done $0x0  }
0x4d: {  	s28 =	sadd.s32 $0x2A80, s26;
	[sflag:s22] =	ssyncadd.s32 $0xFFFFF000  }
0x4e: {  	[spmem:s4] =	stream.indirect.scatter.add.f32 [tilespmem:s18], [sflag:$0x4], $0x20, s28, s16, $0xb8;
	[tilespmem:$0x12400] =	vst v63  }
0x4f: {  	_ =	swait.ge [sflag:s13], $0x1000  }
0x50: {  	[sflag:s13] =	ssyncset.done $0x0  }
0x51: {  	s28 =	sadd.s32 $0x200, s26;
	[sflag:s13] =	ssyncadd.s32 $0xFFFFF000  }
0x52: {  	[tilespmem:s18], [sflag:$0x2] =	stream.indirect.gather [spmem:s3], $0x20, s28, s16, $0xb8;
	[tilespmem:$0x12400] =	vst v63  }
0x53: {  	_ =	swait.ge [sflag:s23], $0x1000  }
0x54: {  	[sflag:s23] =	ssyncset.done $0x0  }
.Ltmp0:
0x55: {  	s28 =	sadd.s32 $0x2B00, s26;
	[sflag:s23] =	ssyncadd.s32 $0xFFFFF000;
	(pc) =	sbr.rel @p0 .LBB2_2-.Ltmp0, $4  }
0x56: {  	[spmem:s4] =	stream.indirect.scatter.add.f32 [tilespmem:s20], [sflag:$0x4], $0x20, s28, s16, $0xb8;
	[tilespmem:$0x12400] =	vst v63  }
0x57: {  	_ =	swait.ge [sflag:s13], $0x1000  }
0x58: {  	[sflag:s13] =	ssyncset.done $0x0  }
0x59: {  	s26 =	sadd.s32 $0x280, s26;
	[sflag:s13] =	ssyncadd.s32 $0xFFFFF000  }
0x5a: {  	[tilespmem:s20], [sflag:$0x3] =	stream.indirect.gather [spmem:s3], $0x20, s26, s16, $0xb8;
	[tilespmem:$0x12400] =	vst v63  }
0x5b: {  	_ =	swait.ge [sflag:s21], $0x1000  }
0x5c: {  	[sflag:s21] =	ssyncset.done $0x0  }
0x5d: {  	[sflag:s21] =	ssyncadd.s32 $0xFFFFF000  }
0x5e: {  	_ =	swait.ge [sflag:s22], $0x1000  }
0x5f: {  	[sflag:s22] =	ssyncset.done $0x0  }
0x60: {  	[sflag:s22] =	ssyncadd.s32 $0xFFFFF000  }
0x61: {  	_ =	swait.ge [sflag:s23], $0x1000  }
0x62: {  	s24 =	sadd.s32 $0x1, s24;
	[sflag:s23] =	ssyncset.done $0x0  }
0x63: {  	p0 =	sne.s32 s24, s11;
	[sflag:s23] =	ssyncadd.s32 $0xFFFFF000  }
.Ltmp1:
0x64: {  	[bflag:$0x0] =	sbarrier.arrive $0xFFFF;
	(pc) =	sbr.rel @p0 .LBB2_1-.Ltmp1, $4  }
0x65: {  	[hbm:s10], [sflag:s7] =	dma.local [spmem:s14], $0xA00  }
0x66: {  	_ =	swait.ge [sflag:s13], $0xA00  }
0x67: {  	[sflag:s13] =	ssyncset.done $0x0  }
0x68: {  	[sflag:s13] =	ssyncadd.s32 $0xFFFFF600  }
0x69: {  	_ =	sfence.sel $0x180000  }
0x6a: {  	[bflag:$0x0] =	sbarrier.arrive $0xFFFF  }
0x6b: {  	p0 =	sne.s32 s2, $0x0;
	_ =	strace $0x9000004D  }
0x6c: {  	s0 =	sadd.s32 @!p0 $0x100000, s0;
	[bflag:$0x2] =	sbarrier.arrive $0xFFFF  }
0x6d: {  	[sflag:s0] =	ssyncadd.tile.s32 @!p0 $0x1;
	_ =	shalt  }
.Lfunc_end2:
_tile_overlayer_lowered:
.L_overlay_start_2:
0x6e: {  	(tag) =	ssettag $0x2  }
0x6f: {  	s0 =	rddreg [dreg:$0x0];
	s2 =	stileid.u32  }
0x70: {  	s1 =	rddreg [dreg:$0x1];
	p0 =	sne.s32 s2, $0x0  }
0x71: {  	s3 =	rddreg [dreg:$0x2];
	[bflag:$0x3] =	sbarrier.arrive $0xFFFF;
	s2 =	simm.s32 @!p0 $0x1C04  }
0x72: {  	[timem:s3], [sflag:s2] =	dma.local @!p0 [hbm:s0], s1  }
0x73: {  	s0 =	simm.s32 @!p0 $0x4  }
0x74: {  	_ =	swait.ge @!p0 [sflag:s0], s1  }
0x75: {  	s1 =	ssub.s32 @!p0 $0x0, s1;
	[sflag:s0] =	ssyncset.done @!p0 $0x0  }
0x76: {  	[sflag:s0] =	ssyncadd.s32 @!p0 s1  }
0x77: {  	[bflag:$0x3] =	sbarrier.arrive $0xFFFF  }
0x78: {  	_ =	shalt  }

// kernel: kernel.8.cloned.1.call-start
scs
__scs_entry_jumppad:
0x0: {  	(pc) =	sbr.rel $0x88, $3  }
0x1: {  	(tag) =	ssettag $0x0;
	lr =	simm.s32 $0x1  }
0x2: {  	[smem:$0x3F9B] =	sst lr;
	_ =	strace $0xD0000000  }
0x3: {  	_ = 	snop  }
0x4: {  	_ = 	snop  }
0x5: {  	_ = 	snop  }
0x6: {  	_ = 	snop  }
0x7: {  	_ = 	snop  }
__scs_overlays_trampoline_lowered:
0x8: {  	[smem:$0x3FAA] =	sst s0  }
0x9: {  	[smem:$0x3FAB] =	sst s1  }
0xa: {  	[smem:$0x3FAC] =	sst s2  }
0xb: {  	[smem:$0x3FAD] =	sst s3  }
0xc: {  	[smem:$0x3FAE] =	sst s4  }
0xd: {  	[smem:$0x3FAF] =	sst s5  }
0xe: {  	[smem:$0x3FB0] =	sst s6  }
0xf: {  	[smem:$0x3FB1] =	sst s7  }
0x10: {  	[smem:$0x3FB2] =	sst s8  }
0x11: {  	[smem:$0x3FB3] =	sst s9;
	s0 =	simm.s32 @!p0 $0x0  }
0x12: {  	s1 =	sld [smem:$0x3F99];
	s0 =	simm.s32 @p0 $0x1  }
0x13: {  	[smem:$0x3FB4] =	sst s0;
	s0 =	simm.s32 @!p1 $0x0  }
0x14: {  	s2 =	sld [smem:$0x3F98];
	s0 =	simm.s32 @p1 $0x1  }
0x15: {  	[smem:$0x3FB5] =	sst s0;
	s0 =	simm.s32 @!p2 $0x0  }
0x16: {  	s3 =	sld [smem:$0x3FDB];
	s0 =	simm.s32 @p2 $0x1  }
0x17: {  	s4 =	simm.s32 $0x1BF5;
	[smem:$0x3FB7] =	sst s0  }
0x18: {  	s0 =	sld [smem:$0x3F9A];
	_ =	swait.ge [sflag:s4], $0x0  }
0x19: {  	s7 =	sld [smem:$0x3F9B]  }
0x1a: {  	s8 =	sadd.s32 $0xFFFFE003, lr  }
0x1b: {  	s9 =	sadd.s32 $0xFFFFFEF7, lr;
	s5 =	simm.s32 $0xFFFFFFFF;
	p2 =	slt.u32 s8, $0xFFFFF086  }
0x1c: {  	p1 =	slt.u32 s9, $0xF7A;
	s5 =	simm.s32 @!p2 $0x0  }
0x1d: {  	s5 =	simm.s32 @p1 $0x1;
	p0 =	seq.s32 s7, s2  }
0x1e: {  	s7 =	smul.u32 @!p0 $0xF7A, s2;
	p2 =	seq.s32 @!p0 s5, $0x0  }
0x1f: {  	s9 =	smul.u32 $0xF7A, s1;
	s8 =	simm.s32 @!p0 $0x1BF5;
	p2 =	por !p2, p0  }
0x20: {  	[sflag:s8] =	ssyncset.s32 @!p0 $0xFFFFF086;
	s6 =	sadd.s32 @!p0 s3, s7;
	s7 =	simm.s32 @!p0 $0x108  }
0x21: {  	s3 =	sadd.s32 s3, s9;
	s6 =	sadd.s32 @!p0 $0x88, s6;
	s7 =	simm.s32 @p2 $0x1082  }
0x22: {  	[simem:s7], [sflag:s8] =	dma.local @!p0 [hbm:s6], $0xF7A  }
0x23: {  	s9 =	sor.u32 $0xD0000000, s2;
	s6 =	simm.s32 $0x108;
	_ =	swait.ge @!p0 [sflag:s8], $0x0  }
0x24: {  	s3 =	sadd.s32 $0x88, s3;
	s6 =	simm.s32 @!p1 $0x1082;
	[sflag:s4] =	ssyncset.s32 $0xFFFFF086  }
0x25: {  	[simem:s6], [sflag:s4] =	dma.local [hbm:s3], $0xF7A  }
0x26: {  	[smem:$0x3F9B] =	sst s1;
	(tag) =	ssettag s2;
	_ =	strace s9  }
0x27: {  	s1 =	sld [smem:$0x3FAB]  }
0x28: {  	s2 =	sld [smem:$0x3FAC]  }
0x29: {  	s4 =	sld [smem:$0x3FAE]  }
0x2a: {  	p0 =	seq.s32 s5, $0x0;
	s5 =	sld [smem:$0x3FAF]  }
0x2b: {  	s6 =	sld [smem:$0x3FB0]  }
0x2c: {  	s7 =	sld [smem:$0x3FB1]  }
0x2d: {  	s3 =	simm.s32 $0x108;
	s8 =	sld [smem:$0x3FB2]  }
0x2e: {  	s3 =	simm.s32 @!p0 $0x1082;
	s9 =	sld [smem:$0x3FB3]  }
0x2f: {  	lr =	sadd.s32 s0, s3;
	s0 =	sld [smem:$0x3FAA]  }
0x30: {  	s3 =	sld [smem:$0x3FAD]  }
0x31: {  	[smem:$0x3FB6] =	sst s10  }
0x32: {  	s10 =	sld [smem:$0x3FB4];
	_ =	sdelay $0x3  }
0x33: {  	p0 =	seq.s32 s10, $0x1;
	s10 =	sld [smem:$0x3FB6];
	_ =	sdelay $0x3  }
0x34: {  	[smem:$0x3FB6] =	sst s10  }
0x35: {  	s10 =	sld [smem:$0x3FB5];
	_ =	sdelay $0x3  }
0x36: {  	p1 =	seq.s32 s10, $0x1;
	s10 =	sld [smem:$0x3FB6];
	_ =	sdelay $0x3  }
0x37: {  	[smem:$0x3FB6] =	sst s10  }
0x38: {  	s10 =	sld [smem:$0x3FB7]  }
0x39: {  	_ = 	snop;
	(pc) =	sbr.ind lr, $3  }
0x3a: {  	_ = 	snop  }
0x3b: {  	_ = 	snop  }
0x3c: {  	p2 =	seq.s32 s10, $0x1;
	s10 =	sld [smem:$0x3FB6]  }
0x3d: {  	_ =	shalt  }
0x3e: {  	_ =	shalt  }
0x3f: {  	_ =	shalt  }
0x40: {  	_ =	shalt  }
0x41: {  	_ =	shalt  }
0x42: {  	_ =	shalt  }
0x43: {  	_ =	shalt  }
0x44: {  	_ =	shalt  }
0x45: {  	_ =	shalt  }
0x46: {  	_ =	shalt  }
0x47: {  	_ =	shalt  }
0x48: {  	_ =	shalt  }
0x49: {  	_ =	shalt  }
0x4a: {  	_ =	shalt  }
0x4b: {  	_ =	shalt  }
0x4c: {  	_ =	shalt  }
0x4d: {  	_ =	shalt  }
0x4e: {  	_ =	shalt  }
0x4f: {  	_ =	shalt  }
0x50: {  	_ =	shalt  }
0x51: {  	_ =	shalt  }
0x52: {  	_ =	shalt  }
0x53: {  	_ =	shalt  }
0x54: {  	_ =	shalt  }
0x55: {  	_ =	shalt  }
0x56: {  	_ =	shalt  }
0x57: {  	_ =	shalt  }
0x58: {  	_ =	shalt  }
0x59: {  	_ =	shalt  }
0x5a: {  	_ =	shalt  }
0x5b: {  	_ =	shalt  }
0x5c: {  	_ =	shalt  }
0x5d: {  	_ =	shalt  }
0x5e: {  	_ =	shalt  }
0x5f: {  	_ =	shalt  }
0x60: {  	_ =	shalt  }
0x61: {  	_ =	shalt  }
0x62: {  	_ =	shalt  }
0x63: {  	_ =	shalt  }
0x64: {  	_ =	shalt  }
0x65: {  	_ =	shalt  }
0x66: {  	_ =	shalt  }
0x67: {  	_ =	shalt  }
0x68: {  	_ =	shalt  }
0x69: {  	_ =	shalt  }
0x6a: {  	_ =	shalt  }
0x6b: {  	_ =	shalt  }
0x6c: {  	_ =	shalt  }
0x6d: {  	_ =	shalt  }
0x6e: {  	_ =	shalt  }
0x6f: {  	_ =	shalt  }
0x70: {  	_ =	shalt  }
0x71: {  	_ =	shalt  }
0x72: {  	_ =	shalt  }
0x73: {  	_ =	shalt  }
0x74: {  	_ =	shalt  }
0x75: {  	_ =	shalt  }
0x76: {  	_ =	shalt  }
0x77: {  	_ =	shalt  }
0x78: {  	_ =	shalt  }
0x79: {  	_ =	shalt  }
0x7a: {  	_ =	shalt  }
0x7b: {  	_ =	shalt  }
0x7c: {  	_ =	shalt  }
0x7d: {  	_ =	shalt  }
0x7e: {  	_ =	shalt  }
0x7f: {  	_ =	shalt  }
0x80: {  	_ =	shalt  }
0x81: {  	_ =	shalt  }
0x82: {  	_ =	shalt  }
0x83: {  	_ =	shalt  }
0x84: {  	_ =	shalt  }
0x85: {  	_ =	shalt  }
0x86: {  	_ =	shalt  }
0x87: {  	_ =	shalt  }
.Lfunc_end0:
.L_simem_size_0:
called_computation_lowered:
.L_overlay_start_0:
0x88: {  	s2 =	sld [smem:$0x3FD9]  }
0x89: {  	s3 =	sld [smem:$0x3FFE];
	_ =	sdelay $0x1  }
0x8a: {  	s1 =	srdreg.scid  }
0x8b: {  	s0 =	sand.u32 $0x1, s1  }
0x8c: {  	s17 =	sshll.u32 s0, $0xA;
	s2 =	sadd.s32 s3, s2  }
0x8d: {  	s2 =	sadd.s32 s2, s17  }
0x8e: {  	[smem:$0x3FC2] =	sst s2  }
0x8f: {  	_ = 	snop  }
0x90: {  	s2 =	sld [smem:$0x3FD0];
	(tm) =	ssettm $0x1  }
0x91: {  	s18 =	sld [smem:$0x3FFB];
	_ =	sdelay $0x3  }
0x92: {  	_ =	strace s18  }
0x93: {  	s3 =	sld [smem:$0x3FFC];
	_ =	sdelay $0x3  }
0x94: {  	_ =	strace s3  }
0x95: {  	s3 =	sld [smem:$0x3FFD];
	_ =	sdelay $0x3  }
0x96: {  	_ =	strace s3  }
0x97: {  	_ =	strace $0x8FFFFFFF  }
0x98: {  	s19 =	sld [smem:$0x3FDB];
	_ =	sdelay $0x1  }
0x99: {  	s4 =	simm.s32 $_scs_section_size  }
0x9a: {  	s5 =	simm.s32 $_size__tile_overlayer_lowered;
	s6 =	simm.s32 $_tile_overlayer_lowered  }
0x9b: {  	s22 =	simm.s32 $0x1BFF;
	s21 =	sshll.u32 s6, $0x1;
	s3 =	sadd.s32 s4, s19  }
0x9c: {  	s7 =	simm.s32 $0x0;
	s20 =	sshll.u32 s5, $0x1;
	s5 =	sadd.s32 s21, s3  }
0x9d: {  	[timem:s7], [sflag:s22] =	dma.local [hbm:s5], s20  }
0x9e: {  	_ =	swait.ge [sflag:s22], s20  }
0x9f: {  	s4 =	ssub.s32 $0x0, s20;
	[sflag:s22] =	ssyncset.done $0x0  }
0xa0: {  	[sflag:s22] =	ssyncadd.s32 s4;
	_ =	sdelay $0x1  }
0xa1: {  	s23 =	simm.s32 $0x1B8B  }
0xa2: {  	_ =	swait.ge [sflag:s23], $0x1  }
0xa3: {  	[sflag:s23] =	ssyncset.done $0x0  }
0xa4: {  	s25 =	simm.s32 $0x1B8E;
	s24 =	sld [smem:$0x3FFE];
	[sflag:s23] =	ssyncadd.s32 $0xFFFFFFFF  }
0xa5: {  	s26 =	simm.s32 $execute0_lowered;
	[smem:$0x3FD2] =	sst s25  }
0xa6: {  	s5 =	sshll.u32 s26, $0x1;
	_ =	strace $0x80000046;
	[dreg:$0x1] =	wrdreg $0xFFFFFFFF  }
0xa7: {  	s28 =	simm.s32 $_size_execute0_lowered;
	s3 =	sadd.s32 s3, s5;
	[dreg:$0x0] =	wrdreg $0x0  }
0xa8: {  	s5 =	sshll.u32 s28, $0x1;
	[dreg:$0x2] =	wrdreg s3  }
0xa9: {  	[dreg:$0x3] =	wrdreg s5  }
0xaa: {  	[dreg:$0x4] =	wrdreg $0xC0  }
0xab: {  	_ =	task [dreg:s7], $0x5FFFF  }
0xac: {  	[dreg:$0x1] =	wrdreg $0xFFFFFFFF  }
0xad: {  	[dreg:$0x0] =	wrdreg $0x60  }
0xae: {  	[dreg:$0x2] =	wrdreg s24  }
0xaf: {  	[dreg:$0x3] =	wrdreg s2  }
0xb0: {  	[dreg:$0x4] =	wrdreg $0x2E000  }
0xb1: {  	[dreg:$0x5] =	wrdreg $0x9  }
0xb2: {  	_ =	task.clear_ibuf [dreg:s7], $0x6FFFF;
	_ =	strace $0x90000046  }
0xb3: {  	s29 =	simm.s32 $0x9;
	_ =	strace $0x80000048  }
0xb4: {  	_ =	swait.ge [sflag:s29], $0x1  }
0xb5: {  	[sflag:s29] =	ssyncadd.s32 $0xFFFFFFFF  }
0xb6: {  	_ =	strace $0x90000048  }
0xb7: {  	_ =	sfence  }
0xb8: {  	s30 =	sld [smem:$0x0];
	_ =	sdelay $0x2  }
0xb9: {  	s31 =	sshll.u32 s1, $0xD;
	s1 =	sshrl.u32 s1, $0x2  }
0xba: {  	s3 =	sand.u32 $0x4000, s31;
	s1 =	sadd.s32 s1, s30  }
0xbb: {  	s0 =	sor.u32 s3, s0;
	s1 =	sshll.u32 s1, $0x11  }
0xbc: {  	s0 =	sor.u32 s1, s0  }
0xbd: {  	s0 =	sadd.s32 $0x8F2B, s0  }
0xbe: {  	[sflag:s0] =	ssyncadd.remote.s32 $0x1  }
0xbf: {  	_ =	sfence.sel $0xFFFF  }
0xc0: {  	[dreg:$0x0] =	wrdreg $0xFFFFFFFF;
	(pc) =	sbr.abs _section_cstart, $3  }
0xc1: {  	[dreg:$0x1] =	wrdreg $0xFFFFFFFF  }
0xc2: {  	_ =	task.clear_ibuf [dreg:s7], $0x2FFFF;
	_ =	strace $0x9FFFFFFF  }
0xc3: {  	(tm) =	ssettm $0x7FFFFFFF  }
tec
execute0_lowered:
.L_overlay_start_1:
0x0: {  	(tag) =	ssettag $0x1  }
0x1: {  	s5 =	rddreg [dreg:$0x0];
	s1 =	srdreg.scid  }
0x2: {  	s0 =	stileid.u32;
	s8 =	rddreg [dreg:$0x1]  }
0x3: {  	s2 =	rddreg [dreg:$0x2];
	s3 =	simm.s32 $0x0;
	s13 =	simm.s32 $0x80  }
0x4: {  	s14 =	simm.s32 $0x0;
	s4 =	sand.u32 $0x1, s1;
	s1 =	rddreg [dreg:$0x3]  }
0x5: {  	s26 =	sshll.u32 s0, $0x1;
	[smem:$0x7FF] =	sst s3;
	s7 =	smul.u32 $0x1400, s0  }
0x6: {  	s31 =	sshll.u32 s0, $0x6;
	s6 =	sor.u32 s4, s26;
	_ =	strace $0x80000047  }
0x7: {  	s9 =	ssub.s32 $0x2, s4;
	s10 =	smul.u32 $0x14000, s4;
	s4 =	sadd.s32 $0xC000, s5  }
0x8: {  	s6 =	smul.u32 $0x540, s6;
	s28 =	sshrl.u32 s9, $0x1;
	s30 =	sadd.s32 s7, s2  }
0x9: {  	s9 =	ssub.s32 s9, s28;
	s29 =	sadd.s32 s7, s10;
	s10 =	sshrl.u32 s30, $0x3  }
0xa: {  	s11 =	sadd.s32 s6, s5;
	s5 =	sadd.s32 $0xBC00, s5;
	s12 =	sshrl.u32 s29, $0x3  }
0xb: {  	s6 =	sor.u32 $0x1C01, s31;
	s9 =	smax.u32 s9, $0x1;
	s7 =	sadd.s32 $0x1400, s11  }
0xc: {  	s8 =	sadd.s32 s8, s12;
	s11 =	simm.s32 $0x1;
	s12 =	simm.s32 $0x2A00  }
.LBB2_1:
0xd: {  	[spmem:s10], [sflag:s6] =	dma.local [hbm:s5], $0x280  }
0xe: {  	_ =	swait.ge [sflag:s11], $0x280  }
0xf: {  	[sflag:s11] =	ssyncset.done $0x0  }
0x10: {  	[sflag:s11] =	ssyncadd.s32 $0xFFFFFD80  }
0x11: {  	[tilespmem:s12], [sflag:$0x1] =	stream.linear.gather [hbm4b:s4+s3], $0x400, $0x38;
	[tilespmem:$0x4200] =	vst v63  }
0x12: {  	_ =	swait.ge [sflag:s11], $0x400  }
0x13: {  	[sflag:s11] =	ssyncset.done $0x0  }
0x14: {  	[sflag:s11] =	ssyncadd.s32 $0xFFFFFC00  }
0x15: {  	[tilespmem:s3], [sflag:$0x1] =	stream.linear.gather [hbm4b:s7+s3], $0x2A00, $0x38;
	[tilespmem:$0x4200] =	vst v63  }
0x16: {  	_ =	swait.ge [sflag:s11], $0x2A00  }
0x17: {  	[sflag:s11] =	ssyncset.done $0x0  }
0x18: {  	[sflag:s11] =	ssyncadd.s32 $0xFFFFD600  }
0x19: {  	s15 =	simm.s32 $0x0;
	[bflag:$0x0] =	sbarrier.arrive $0xFFFF  }
0x1a: {  	[spmem:s2] =	stream.indirect.scatter.add.f32 [tilespmem:s12], [sflag:$0x1], $0x8, s15, s13, $0xb8;
	[tilespmem:$0x4200] =	vst v63  }
0x1b: {  	_ =	swait.ge [sflag:s11], $0x400  }
0x1c: {  	s15 =	simm.s32 $0x200;
	[sflag:s11] =	ssyncset.done $0x0  }
.LBB2_2:
0x1d: {  	s16 =	sshra.s32 s15, $0x2;
	[sflag:s11] =	ssyncadd.s32 $0xFFFFFC00;
	p0 =	sne.s32 s15, $0xA000  }
0x1e: {  	[spmem:s2] =	stream.indirect.scatter.add.f32 [tilespmem:s12], [sflag:$0x1], $0x8, s16, s13, $0xb8;
	[tilespmem:$0x4200] =	vst v63  }
.Ltmp0:
0x1f: {  	_ = 	snop;
	(pc) =	sbr.rel @p0 .LBB2_2-.Ltmp0, $4  }
0x20: {  	_ = 	snop  }
0x21: {  	s15 =	sadd.s32 $0x200, s15  }
0x22: {  	_ =	swait.ge [sflag:s11], $0x400  }
0x23: {  	[sflag:s11] =	ssyncset.done $0x0  }
0x24: {  	s14 =	sadd.s32 $0x1, s14  }
0x25: {  	[sflag:s11] =	ssyncadd.s32 $0xFFFFFC00;
	p0 =	sne.s32 s14, s9  }
.Ltmp1:
0x26: {  	[bflag:$0x0] =	sbarrier.arrive $0xFFFF;
	(pc) =	sbr.rel @p0 .LBB2_1-.Ltmp1, $4  }
0x27: {  	[hbm:s8], [sflag:s6] =	dma.local [spmem:s10], $0x280  }
0x28: {  	_ =	swait.ge [sflag:s11], $0x280  }
0x29: {  	[sflag:s11] =	ssyncset.done $0x0  }
0x2a: {  	[sflag:s11] =	ssyncadd.s32 $0xFFFFFD80  }
0x2b: {  	_ =	sfence.sel $0x180000  }
0x2c: {  	[bflag:$0x0] =	sbarrier.arrive $0xFFFF  }
0x2d: {  	p0 =	sne.s32 s0, $0x0;
	_ =	strace $0x90000047  }
0x2e: {  	s0 =	sadd.s32 @!p0 $0x100000, s1;
	[bflag:$0x2] =	sbarrier.arrive $0xFFFF  }
0x2f: {  	[sflag:s0] =	ssyncadd.tile.s32 @!p0 $0x1;
	_ =	shalt  }
.Lfunc_end2:
_tile_overlayer_lowered:
.L_overlay_start_2:
0x30: {  	(tag) =	ssettag $0x2  }
0x31: {  	s0 =	rddreg [dreg:$0x0];
	s2 =	stileid.u32  }
0x32: {  	s1 =	rddreg [dreg:$0x1];
	p0 =	sne.s32 s2, $0x0  }
0x33: {  	s3 =	rddreg [dreg:$0x2];
	[bflag:$0x3] =	sbarrier.arrive $0xFFFF;
	s2 =	simm.s32 @!p0 $0x1C01  }
0x34: {  	[timem:s3], [sflag:s2] =	dma.local @!p0 [hbm:s0], s1  }
0x35: {  	s0 =	simm.s32 @!p0 $0x1  }
0x36: {  	_ =	swait.ge @!p0 [sflag:s0], s1  }
0x37: {  	s1 =	ssub.s32 @!p0 $0x0, s1;
	[sflag:s0] =	ssyncset.done @!p0 $0x0  }
0x38: {  	[sflag:s0] =	ssyncadd.s32 @!p0 s1  }
0x39: {  	[bflag:$0x3] =	sbarrier.arrive $0xFFFF  }
0x3a: {  	_ =	shalt  }

</sc_bundles>
